<compile_context>
chip_gen: v7x
topology: tpu7x:2x2x1
jax: 0.10.2.dev20260603
libtpu: 0.0.44.dev20260713+nightly
codegen_flags: <defaults>
</compile_context>

<pallas_src>
import functools

import jax
import jax.numpy as jnp
from jax import lax
from jax.experimental import pallas as pl
from jax.experimental.pallas import tpu as pltpu
from jax.experimental.pallas import tpu_sc as plsc

D_MODEL = 1024
MAX_LEN = 8192
SEQ_LEN = 32768

NUM_CORES = 2
NUM_SUBCORES = 16
NUM_WORKERS = NUM_CORES * NUM_SUBCORES
B_PER_W = SEQ_LEN // NUM_WORKERS
CHUNK = 16
NCHUNK = B_PER_W // CHUNK
NBUF = 6
AHEAD = 3
NMAIN = (NCHUNK // NBUF) * NBUF


def _sc_gather(table, positions):
    mesh = plsc.VectorSubcoreMesh(
        core_axis_name="c", subcore_axis_name="s",
        num_cores=NUM_CORES, num_subcores=NUM_SUBCORES)

    @functools.partial(
        pl.kernel,
        mesh=mesh,
        out_type=jax.ShapeDtypeStruct((SEQ_LEN, D_MODEL), jnp.float32),
        scratch_types=[
            pltpu.VMEM((B_PER_W,), jnp.int32),
            [pltpu.VMEM((CHUNK, D_MODEL), jnp.float32) for _ in range(NBUF)],
            [pltpu.SemaphoreType.DMA for _ in range(NBUF)],
            [pltpu.SemaphoreType.DMA for _ in range(NBUF)],
        ],
    )
    def k(tab_hbm, idx_hbm, out_hbm, idx_v, bufs, gsems, wsems):
        wid = lax.axis_index("s") * NUM_CORES + lax.axis_index("c")
        base = wid * B_PER_W
        pltpu.sync_copy(idx_hbm.at[pl.ds(base, B_PER_W)], idx_v)

        def start_gather(j, b):
            pltpu.async_copy(
                tab_hbm.at[idx_v.at[pl.ds(j * CHUNK, CHUNK)]],
                bufs[b], gsems[b])

        def wait_gather(b):
            pltpu.make_async_copy(
                tab_hbm.at[pl.ds(0, CHUNK)], bufs[b], gsems[b]).wait()

        def start_write(j, b):
            pltpu.async_copy(
                bufs[b], out_hbm.at[pl.ds(base + j * CHUNK, CHUNK)],
                wsems[b])

        def wait_write(b):
            pltpu.make_async_copy(
                bufs[b], out_hbm.at[pl.ds(base, CHUNK)], wsems[b]).wait()

        def when(cond, f):
            if isinstance(cond, bool):
                if cond:
                    f()
            else:
                pl.when(cond)(f)

        def step(i, bb):
            j = i + AHEAD
            jb = (bb + AHEAD) % NBUF
            def issue():
                when(j >= NBUF, lambda: wait_write(jb))
                start_gather(j, jb)
            when(j < NCHUNK, issue)
            wait_gather(bb)
            start_write(i, bb)

        for j in range(AHEAD):
            start_gather(j, j)

        @pl.loop(0, NMAIN, step=NBUF)
        def _(i0):
            for bb in range(NBUF):
                step(i0 + bb, bb)

        for i in range(NMAIN, NCHUNK):
            step(i, i % NBUF)

        for bb in range(NBUF):
            wait_write(bb)

    return k(table, positions)


def kernel(positions, encoding_table):
    return _sc_gather(encoding_table, positions.astype(jnp.int32))

# --- scband reference (transcript-rebuilt; emitter-appended) ---
"""Pipeline reference for scband-sinusoidal-position-encoding-57380763074924 (READ-ONLY COPY).

The authoritative reference and input builder live on the scoring server;
editing this copy changes nothing except your own understanding.
"""

import math
import jax, jax.numpy as jnp
import numpy as np

D_MODEL = 1024
MAX_LEN = 8192
SEQ_LEN = 32768


def _build_encoding_table(d_model, max_len):
    positions = jnp.arange(max_len, dtype=jnp.float32)[:, None]
    dim_indices = jnp.arange(0, d_model, 2, dtype=jnp.float32)
    freqs = jnp.exp(-dim_indices * (math.log(10000.0) / d_model))
    angles = positions * freqs
    sin_enc = jnp.sin(angles)
    cos_enc = jnp.cos(angles)
    encoding = jnp.zeros((max_len, d_model), dtype=jnp.float32)
    encoding = encoding.at[:, 0::2].set(sin_enc)
    encoding = encoding.at[:, 1::2].set(cos_enc)
    return encoding


def setup_inputs(seed: int = 0) -> dict:
    key = jax.random.key(seed)
    k_pos, _ = jax.random.split(key)
    positions = jax.random.randint(k_pos, (SEQ_LEN,), 0, MAX_LEN, dtype=jnp.int64 if jax.config.jax_enable_x64 else jnp.int32)
    encoding_table = _build_encoding_table(D_MODEL, MAX_LEN)
    return {"positions": positions, "encoding_table": encoding_table}


def reference(positions, encoding_table):
    # Faithful translation of SinusoidalPositionEncoding.__call__:
    # a pure embedding-table gather.
    return jnp.take(encoding_table, positions, axis=0)

if __name__ == "__main__":
    import jax
    _d = setup_inputs()
    print(jax.jit(kernel)(*tuple(_d.values())))

</pallas_src>

<mosaic_0001>
#map = affine_map<(d0, d1) -> (0, 0)>
#map1 = affine_map<(d0, d1) -> (0)>
module attributes {stable_mosaic.version = 14 : i64} {
  func.func @k(%arg0: i32, %arg1: i32, %arg2: memref<8192x1024xf32, #tpu.memory_space<hbm>>, %arg3: memref<32768xi32, #tpu.memory_space<hbm>>, %arg4: memref<32768x1024xf32, #tpu.memory_space<hbm>>, %arg5: memref<1024xi32, #tpu.memory_space<vmem>>, %arg6: memref<16x1024xf32, #tpu.memory_space<vmem>>, %arg7: memref<16x1024xf32, #tpu.memory_space<vmem>>, %arg8: memref<16x1024xf32, #tpu.memory_space<vmem>>, %arg9: memref<16x1024xf32, #tpu.memory_space<vmem>>, %arg10: memref<16x1024xf32, #tpu.memory_space<vmem>>, %arg11: memref<16x1024xf32, #tpu.memory_space<vmem>>, %arg12: memref<!tpu.dma_semaphore, #tpu.memory_space<semaphore_mem>>, %arg13: memref<!tpu.dma_semaphore, #tpu.memory_space<semaphore_mem>>, %arg14: memref<!tpu.dma_semaphore, #tpu.memory_space<semaphore_mem>>, %arg15: memref<!tpu.dma_semaphore, #tpu.memory_space<semaphore_mem>>, %arg16: memref<!tpu.dma_semaphore, #tpu.memory_space<semaphore_mem>>, %arg17: memref<!tpu.dma_semaphore, #tpu.memory_space<semaphore_mem>>, %arg18: memref<!tpu.dma_semaphore, #tpu.memory_space<semaphore_mem>>, %arg19: memref<!tpu.dma_semaphore, #tpu.memory_space<semaphore_mem>>, %arg20: memref<!tpu.dma_semaphore, #tpu.memory_space<semaphore_mem>>, %arg21: memref<!tpu.dma_semaphore, #tpu.memory_space<semaphore_mem>>, %arg22: memref<!tpu.dma_semaphore, #tpu.memory_space<semaphore_mem>>, %arg23: memref<!tpu.dma_semaphore, #tpu.memory_space<semaphore_mem>>) attributes {dimension_semantics = [#tpu.dimension_semantics<core_parallel>, #tpu.dimension_semantics<subcore_parallel>], iteration_bounds = array<i64: 2, 16>, scalar_prefetch = 0 : i64, scratch_operands = 19 : i64, tpu.core_type = #tpu.core_type<sc_vector_subcore>, window_params = [{transform_indices = #map}, {transform_indices = #map1}, {transform_indices = #map}]} {
    %mul3A = arith.constant 2 : i32
    %mul3A_0 = arith.muli %arg1, %mul3A : i32
    %add3A = arith.addi %mul3A_0, %arg0 : i32
    %mul3A_1 = arith.constant 1024 : i32
    %mul3A_2 = arith.muli %add3A, %mul3A_1 : i32
    "tpu.region"() ({
      %run_scoped3A = tpu.sem_alloc : memref<!tpu.dma_semaphore, #tpu.memory_space<semaphore_mem>>
      %dma_start3A_101 = tpu.memref_slice %arg3[%mul3A_2] : memref<32768xi32, #tpu.memory_space<hbm>> -> memref<1024xi32, #tpu.memory_space<hbm>>
      %dma_start3A_102 = tpu.memref_slice %arg3[%mul3A_2] : memref<32768xi32, #tpu.memory_space<hbm>> -> memref<1024xi32, #tpu.memory_space<hbm>>
      tpu.enqueue_dma source(%dma_start3A_102 : memref<1024xi32, #tpu.memory_space<hbm>>) target(%arg5 : memref<1024xi32, #tpu.memory_space<vmem>>) target_semaphore(%run_scoped3A : memref<!tpu.dma_semaphore, #tpu.memory_space<semaphore_mem>>)
      %dma_wait3A_103 = tpu.memref_slice %arg3[%mul3A_2] : memref<32768xi32, #tpu.memory_space<hbm>> -> memref<1024xi32, #tpu.memory_space<hbm>>
      %dma_wait3A_104 = tpu.memref_slice %arg3[%mul3A_2] : memref<32768xi32, #tpu.memory_space<hbm>> -> memref<1024xi32, #tpu.memory_space<hbm>>
      tpu.wait_dma2 semaphore(%run_scoped3A : memref<!tpu.dma_semaphore, #tpu.memory_space<semaphore_mem>>) src(%dma_wait3A_104 : memref<1024xi32, #tpu.memory_space<hbm>>) dst(%arg5 : memref<1024xi32, #tpu.memory_space<vmem>>)
      tpu.yield
    }) : () -> ()
    %dma_start3A = arith.constant 0 : i32
    %dma_start3A_3 = tpu.memref_slice %arg5[%dma_start3A] : memref<1024xi32, #tpu.memory_space<vmem>> -> memref<16xi32, #tpu.memory_space<vmem>>
    %dma_start3A_4 = arith.constant 0 : i32
    %dma_start3A_5 = arith.constant 0 : i32
    %dma_start3A_6 = tpu.memref_slice %arg2[%dma_start3A_4, %dma_start3A_5] : memref<8192x1024xf32, #tpu.memory_space<hbm>> -> memref<8192x1024xf32, #tpu.memory_space<hbm>>
    tpu.enqueue_indirect_dma source(%dma_start3A_6 : memref<8192x1024xf32, #tpu.memory_space<hbm>>) target(%arg6 : memref<16x1024xf32, #tpu.memory_space<vmem>>) offsets(%dma_start3A_3 : memref<16xi32, #tpu.memory_space<vmem>>) semaphore(%arg12 : memref<!tpu.dma_semaphore, #tpu.memory_space<semaphore_mem>>)
    %dma_start3A_7 = arith.constant 16 : i32
    %dma_start3A_8 = tpu.memref_slice %arg5[%dma_start3A_7] : memref<1024xi32, #tpu.memory_space<vmem>> -> memref<16xi32, #tpu.memory_space<vmem>>
    %dma_start3A_9 = arith.constant 0 : i32
    %dma_start3A_10 = arith.constant 0 : i32
    %dma_start3A_11 = tpu.memref_slice %arg2[%dma_start3A_9, %dma_start3A_10] : memref<8192x1024xf32, #tpu.memory_space<hbm>> -> memref<8192x1024xf32, #tpu.memory_space<hbm>>
    tpu.enqueue_indirect_dma source(%dma_start3A_11 : memref<8192x1024xf32, #tpu.memory_space<hbm>>) target(%arg7 : memref<16x1024xf32, #tpu.memory_space<vmem>>) offsets(%dma_start3A_8 : memref<16xi32, #tpu.memory_space<vmem>>) semaphore(%arg13 : memref<!tpu.dma_semaphore, #tpu.memory_space<semaphore_mem>>)
    %dma_start3A_12 = arith.constant 32 : i32
    %dma_start3A_13 = tpu.memref_slice %arg5[%dma_start3A_12] : memref<1024xi32, #tpu.memory_space<vmem>> -> memref<16xi32, #tpu.memory_space<vmem>>
    %dma_start3A_14 = arith.constant 0 : i32
    %dma_start3A_15 = arith.constant 0 : i32
    %dma_start3A_16 = tpu.memref_slice %arg2[%dma_start3A_14, %dma_start3A_15] : memref<8192x1024xf32, #tpu.memory_space<hbm>> -> memref<8192x1024xf32, #tpu.memory_space<hbm>>
    tpu.enqueue_indirect_dma source(%dma_start3A_16 : memref<8192x1024xf32, #tpu.memory_space<hbm>>) target(%arg8 : memref<16x1024xf32, #tpu.memory_space<vmem>>) offsets(%dma_start3A_13 : memref<16xi32, #tpu.memory_space<vmem>>) semaphore(%arg14 : memref<!tpu.dma_semaphore, #tpu.memory_space<semaphore_mem>>)
    %scan3A = arith.constant 0 : i32
    %scan3A_17 = arith.constant 10 : i32
    %scan3A_18 = arith.addi %scan3A, %scan3A_17 : i32
    %scan3A_19 = arith.constant 1 : i32
    scf.for %scan3A_101 = %scan3A to %scan3A_18 step %scan3A_19  : i32 {
      %mul3A_102 = arith.constant 6 : i32
      %mul3A_103 = arith.muli %scan3A_101, %mul3A_102 : i32
      %add3A_104 = arith.constant 0 : i32
      %add3A_105 = arith.addi %add3A_104, %mul3A_103 : i32
      %add3A_106 = arith.constant 0 : i32
      %add3A_107 = arith.addi %add3A_105, %add3A_106 : i32
      %add3A_108 = arith.constant 3 : i32
      %add3A_109 = arith.addi %add3A_107, %add3A_108 : i32
      %lt3A = arith.constant 64 : i32
      %lt3A_110 = arith.cmpi slt, %add3A_109, %lt3A : i32
      %convert_element_type3A = arith.extui %lt3A_110 : i1 to i32
      %cond3A = arith.constant 0 : i32
      %cond3A_111 = arith.cmpi ne, %convert_element_type3A, %cond3A : i32
      scf.if %cond3A_111 {
        %ge3A = arith.constant 6 : i32
        %ge3A_235 = arith.cmpi sge, %add3A_109, %ge3A : i32
        %convert_element_type3A_236 = arith.extui %ge3A_235 : i1 to i32
        %cond3A_237 = arith.constant 0 : i32
        %cond3A_238 = arith.cmpi ne, %convert_element_type3A_236, %cond3A_237 : i32
        scf.if %cond3A_238 {
          %dma_wait3A_245 = arith.constant 0 : i32
          %dma_wait3A_246 = tpu.memref_slice %arg4[%mul3A_2, %dma_wait3A_245] : memref<32768x1024xf32, #tpu.memory_space<hbm>> -> memref<16x1024xf32, #tpu.memory_space<hbm>>
          %dma_wait3A_247 = arith.constant 0 : i32
          %dma_wait3A_248 = tpu.memref_slice %arg4[%mul3A_2, %dma_wait3A_247] : memref<32768x1024xf32, #tpu.memory_space<hbm>> -> memref<16x1024xf32, #tpu.memory_space<hbm>>
          tpu.wait_dma2 semaphore(%arg21 : memref<!tpu.dma_semaphore, #tpu.memory_space<semaphore_mem>>) src(%arg9 : memref<16x1024xf32, #tpu.memory_space<vmem>>) dst(%dma_wait3A_248 : memref<16x1024xf32, #tpu.memory_space<hbm>>)
        } else {
        }
        %mul3A_239 = arith.constant 16 : i32
        %mul3A_240 = arith.muli %add3A_109, %mul3A_239 : i32
        %dma_start3A_241 = tpu.memref_slice %arg5[%mul3A_240] : memref<1024xi32, #tpu.memory_space<vmem>> -> memref<16xi32, #tpu.memory_space<vmem>>
        %dma_start3A_242 = arith.constant 0 : i32
        %dma_start3A_243 = arith.constant 0 : i32
        %dma_start3A_244 = tpu.memref_slice %arg2[%dma_start3A_242, %dma_start3A_243] : memref<8192x1024xf32, #tpu.memory_space<hbm>> -> memref<8192x1024xf32, #tpu.memory_space<hbm>>
        tpu.enqueue_indirect_dma source(%dma_start3A_244 : memref<8192x1024xf32, #tpu.memory_space<hbm>>) target(%arg9 : memref<16x1024xf32, #tpu.memory_space<vmem>>) offsets(%dma_start3A_241 : memref<16xi32, #tpu.memory_space<vmem>>) semaphore(%arg15 : memref<!tpu.dma_semaphore, #tpu.memory_space<semaphore_mem>>)
      } else {
      }
      %dma_wait3A_112 = arith.constant 0 : i32
      %dma_wait3A_113 = arith.constant 0 : i32
      %dma_wait3A_114 = tpu.memref_slice %arg2[%dma_wait3A_112, %dma_wait3A_113] : memref<8192x1024xf32, #tpu.memory_space<hbm>> -> memref<16x1024xf32, #tpu.memory_space<hbm>>
      %dma_wait3A_115 = arith.constant 0 : i32
      %dma_wait3A_116 = arith.constant 0 : i32
      %dma_wait3A_117 = tpu.memref_slice %arg2[%dma_wait3A_115, %dma_wait3A_116] : memref<8192x1024xf32, #tpu.memory_space<hbm>> -> memref<16x1024xf32, #tpu.memory_space<hbm>>
      tpu.wait_dma2 semaphore(%arg12 : memref<!tpu.dma_semaphore, #tpu.memory_space<semaphore_mem>>) src(%dma_wait3A_117 : memref<16x1024xf32, #tpu.memory_space<hbm>>) dst(%arg6 : memref<16x1024xf32, #tpu.memory_space<vmem>>)
      %mul3A_118 = arith.constant 16 : i32
      %mul3A_119 = arith.muli %add3A_107, %mul3A_118 : i32
      %add3A_120 = arith.addi %mul3A_2, %mul3A_119 : i32
      %dma_start3A_121 = arith.constant 0 : i32
      %dma_start3A_122 = tpu.memref_slice %arg4[%add3A_120, %dma_start3A_121] : memref<32768x1024xf32, #tpu.memory_space<hbm>> -> memref<16x1024xf32, #tpu.memory_space<hbm>>
      %dma_start3A_123 = arith.constant 0 : i32
      %dma_start3A_124 = tpu.memref_slice %arg4[%add3A_120, %dma_start3A_123] : memref<32768x1024xf32, #tpu.memory_space<hbm>> -> memref<16x1024xf32, #tpu.memory_space<hbm>>
      tpu.enqueue_dma source(%arg6 : memref<16x1024xf32, #tpu.memory_space<vmem>>) target(%dma_start3A_124 : memref<16x1024xf32, #tpu.memory_space<hbm>>) target_semaphore(%arg18 : memref<!tpu.dma_semaphore, #tpu.memory_space<semaphore_mem>>)
      %add3A_125 = arith.constant 1 : i32
      %add3A_126 = arith.addi %add3A_105, %add3A_125 : i32
      %add3A_127 = arith.constant 3 : i32
      %add3A_128 = arith.addi %add3A_126, %add3A_127 : i32
      %lt3A_129 = arith.constant 64 : i32
      %lt3A_130 = arith.cmpi slt, %add3A_128, %lt3A_129 : i32
      %convert_element_type3A_131 = arith.extui %lt3A_130 : i1 to i32
      %cond3A_132 = arith.constant 0 : i32
      %cond3A_133 = arith.cmpi ne, %convert_element_type3A_131, %cond3A_132 : i32
      scf.if %cond3A_133 {
        %ge3A = arith.constant 6 : i32
        %ge3A_235 = arith.cmpi sge, %add3A_128, %ge3A : i32
        %convert_element_type3A_236 = arith.extui %ge3A_235 : i1 to i32
        %cond3A_237 = arith.constant 0 : i32
        %cond3A_238 = arith.cmpi ne, %convert_element_type3A_236, %cond3A_237 : i32
        scf.if %cond3A_238 {
          %dma_wait3A_245 = arith.constant 0 : i32
          %dma_wait3A_246 = tpu.memref_slice %arg4[%mul3A_2, %dma_wait3A_245] : memref<32768x1024xf32, #tpu.memory_space<hbm>> -> memref<16x1024xf32, #tpu.memory_space<hbm>>
          %dma_wait3A_247 = arith.constant 0 : i32
          %dma_wait3A_248 = tpu.memref_slice %arg4[%mul3A_2, %dma_wait3A_247] : memref<32768x1024xf32, #tpu.memory_space<hbm>> -> memref<16x1024xf32, #tpu.memory_space<hbm>>
          tpu.wait_dma2 semaphore(%arg22 : memref<!tpu.dma_semaphore, #tpu.memory_space<semaphore_mem>>) src(%arg10 : memref<16x1024xf32, #tpu.memory_space<vmem>>) dst(%dma_wait3A_248 : memref<16x1024xf32, #tpu.memory_space<hbm>>)
        } else {
        }
        %mul3A_239 = arith.constant 16 : i32
        %mul3A_240 = arith.muli %add3A_128, %mul3A_239 : i32
        %dma_start3A_241 = tpu.memref_slice %arg5[%mul3A_240] : memref<1024xi32, #tpu.memory_space<vmem>> -> memref<16xi32, #tpu.memory_space<vmem>>
        %dma_start3A_242 = arith.constant 0 : i32
        %dma_start3A_243 = arith.constant 0 : i32
        %dma_start3A_244 = tpu.memref_slice %arg2[%dma_start3A_242, %dma_start3A_243] : memref<8192x1024xf32, #tpu.memory_space<hbm>> -> memref<8192x1024xf32, #tpu.memory_space<hbm>>
        tpu.enqueue_indirect_dma source(%dma_start3A_244 : memref<8192x1024xf32, #tpu.memory_space<hbm>>) target(%arg10 : memref<16x1024xf32, #tpu.memory_space<vmem>>) offsets(%dma_start3A_241 : memref<16xi32, #tpu.memory_space<vmem>>) semaphore(%arg16 : memref<!tpu.dma_semaphore, #tpu.memory_space<semaphore_mem>>)
      } else {
      }
      %dma_wait3A_134 = arith.constant 0 : i32
      %dma_wait3A_135 = arith.constant 0 : i32
      %dma_wait3A_136 = tpu.memref_slice %arg2[%dma_wait3A_134, %dma_wait3A_135] : memref<8192x1024xf32, #tpu.memory_space<hbm>> -> memref<16x1024xf32, #tpu.memory_space<hbm>>
      %dma_wait3A_137 = arith.constant 0 : i32
      %dma_wait3A_138 = arith.constant 0 : i32
      %dma_wait3A_139 = tpu.memref_slice %arg2[%dma_wait3A_137, %dma_wait3A_138] : memref<8192x1024xf32, #tpu.memory_space<hbm>> -> memref<16x1024xf32, #tpu.memory_space<hbm>>
      tpu.wait_dma2 semaphore(%arg13 : memref<!tpu.dma_semaphore, #tpu.memory_space<semaphore_mem>>) src(%dma_wait3A_139 : memref<16x1024xf32, #tpu.memory_space<hbm>>) dst(%arg7 : memref<16x1024xf32, #tpu.memory_space<vmem>>)
      %mul3A_140 = arith.constant 16 : i32
      %mul3A_141 = arith.muli %add3A_126, %mul3A_140 : i32
      %add3A_142 = arith.addi %mul3A_2, %mul3A_141 : i32
      %dma_start3A_143 = arith.constant 0 : i32
      %dma_start3A_144 = tpu.memref_slice %arg4[%add3A_142, %dma_start3A_143] : memref<32768x1024xf32, #tpu.memory_space<hbm>> -> memref<16x1024xf32, #tpu.memory_space<hbm>>
      %dma_start3A_145 = arith.constant 0 : i32
      %dma_start3A_146 = tpu.memref_slice %arg4[%add3A_142, %dma_start3A_145] : memref<32768x1024xf32, #tpu.memory_space<hbm>> -> memref<16x1024xf32, #tpu.memory_space<hbm>>
      tpu.enqueue_dma source(%arg7 : memref<16x1024xf32, #tpu.memory_space<vmem>>) target(%dma_start3A_146 : memref<16x1024xf32, #tpu.memory_space<hbm>>) target_semaphore(%arg19 : memref<!tpu.dma_semaphore, #tpu.memory_space<semaphore_mem>>)
      %add3A_147 = arith.constant 2 : i32
      %add3A_148 = arith.addi %add3A_105, %add3A_147 : i32
      %add3A_149 = arith.constant 3 : i32
      %add3A_150 = arith.addi %add3A_148, %add3A_149 : i32
      %lt3A_151 = arith.constant 64 : i32
      %lt3A_152 = arith.cmpi slt, %add3A_150, %lt3A_151 : i32
      %convert_element_type3A_153 = arith.extui %lt3A_152 : i1 to i32
      %cond3A_154 = arith.constant 0 : i32
      %cond3A_155 = arith.cmpi ne, %convert_element_type3A_153, %cond3A_154 : i32
      scf.if %cond3A_155 {
        %ge3A = arith.constant 6 : i32
        %ge3A_235 = arith.cmpi sge, %add3A_150, %ge3A : i32
        %convert_element_type3A_236 = arith.extui %ge3A_235 : i1 to i32
        %cond3A_237 = arith.constant 0 : i32
        %cond3A_238 = arith.cmpi ne, %convert_element_type3A_236, %cond3A_237 : i32
        scf.if %cond3A_238 {
          %dma_wait3A_245 = arith.constant 0 : i32
          %dma_wait3A_246 = tpu.memref_slice %arg4[%mul3A_2, %dma_wait3A_245] : memref<32768x1024xf32, #tpu.memory_space<hbm>> -> memref<16x1024xf32, #tpu.memory_space<hbm>>
          %dma_wait3A_247 = arith.constant 0 : i32
          %dma_wait3A_248 = tpu.memref_slice %arg4[%mul3A_2, %dma_wait3A_247] : memref<32768x1024xf32, #tpu.memory_space<hbm>> -> memref<16x1024xf32, #tpu.memory_space<hbm>>
          tpu.wait_dma2 semaphore(%arg23 : memref<!tpu.dma_semaphore, #tpu.memory_space<semaphore_mem>>) src(%arg11 : memref<16x1024xf32, #tpu.memory_space<vmem>>) dst(%dma_wait3A_248 : memref<16x1024xf32, #tpu.memory_space<hbm>>)
        } else {
        }
        %mul3A_239 = arith.constant 16 : i32
        %mul3A_240 = arith.muli %add3A_150, %mul3A_239 : i32
        %dma_start3A_241 = tpu.memref_slice %arg5[%mul3A_240] : memref<1024xi32, #tpu.memory_space<vmem>> -> memref<16xi32, #tpu.memory_space<vmem>>
        %dma_start3A_242 = arith.constant 0 : i32
        %dma_start3A_243 = arith.constant 0 : i32
        %dma_start3A_244 = tpu.memref_slice %arg2[%dma_start3A_242, %dma_start3A_243] : memref<8192x1024xf32, #tpu.memory_space<hbm>> -> memref<8192x1024xf32, #tpu.memory_space<hbm>>
        tpu.enqueue_indirect_dma source(%dma_start3A_244 : memref<8192x1024xf32, #tpu.memory_space<hbm>>) target(%arg11 : memref<16x1024xf32, #tpu.memory_space<vmem>>) offsets(%dma_start3A_241 : memref<16xi32, #tpu.memory_space<vmem>>) semaphore(%arg17 : memref<!tpu.dma_semaphore, #tpu.memory_space<semaphore_mem>>)
      } else {
      }
      %dma_wait3A_156 = arith.constant 0 : i32
      %dma_wait3A_157 = arith.constant 0 : i32
      %dma_wait3A_158 = tpu.memref_slice %arg2[%dma_wait3A_156, %dma_wait3A_157] : memref<8192x1024xf32, #tpu.memory_space<hbm>> -> memref<16x1024xf32, #tpu.memory_space<hbm>>
      %dma_wait3A_159 = arith.constant 0 : i32
      %dma_wait3A_160 = arith.constant 0 : i32
      %dma_wait3A_161 = tpu.memref_slice %arg2[%dma_wait3A_159, %dma_wait3A_160] : memref<8192x1024xf32, #tpu.memory_space<hbm>> -> memref<16x1024xf32, #tpu.memory_space<hbm>>
      tpu.wait_dma2 semaphore(%arg14 : memref<!tpu.dma_semaphore, #tpu.memory_space<semaphore_mem>>) src(%dma_wait3A_161 : memref<16x1024xf32, #tpu.memory_space<hbm>>) dst(%arg8 : memref<16x1024xf32, #tpu.memory_space<vmem>>)
      %mul3A_162 = arith.constant 16 : i32
      %mul3A_163 = arith.muli %add3A_148, %mul3A_162 : i32
      %add3A_164 = arith.addi %mul3A_2, %mul3A_163 : i32
      %dma_start3A_165 = arith.constant 0 : i32
      %dma_start3A_166 = tpu.memref_slice %arg4[%add3A_164, %dma_start3A_165] : memref<32768x1024xf32, #tpu.memory_space<hbm>> -> memref<16x1024xf32, #tpu.memory_space<hbm>>
      %dma_start3A_167 = arith.constant 0 : i32
      %dma_start3A_168 = tpu.memref_slice %arg4[%add3A_164, %dma_start3A_167] : memref<32768x1024xf32, #tpu.memory_space<hbm>> -> memref<16x1024xf32, #tpu.memory_space<hbm>>
      tpu.enqueue_dma source(%arg8 : memref<16x1024xf32, #tpu.memory_space<vmem>>) target(%dma_start3A_168 : memref<16x1024xf32, #tpu.memory_space<hbm>>) target_semaphore(%arg20 : memref<!tpu.dma_semaphore, #tpu.memory_space<semaphore_mem>>)
      %add3A_169 = arith.constant 3 : i32
      %add3A_170 = arith.addi %add3A_105, %add3A_169 : i32
      %add3A_171 = arith.constant 3 : i32
      %add3A_172 = arith.addi %add3A_170, %add3A_171 : i32
      %lt3A_173 = arith.constant 64 : i32
      %lt3A_174 = arith.cmpi slt, %add3A_172, %lt3A_173 : i32
      %convert_element_type3A_175 = arith.extui %lt3A_174 : i1 to i32
      %cond3A_176 = arith.constant 0 : i32
      %cond3A_177 = arith.cmpi ne, %convert_element_type3A_175, %cond3A_176 : i32
      scf.if %cond3A_177 {
        %ge3A = arith.constant 6 : i32
        %ge3A_235 = arith.cmpi sge, %add3A_172, %ge3A : i32
        %convert_element_type3A_236 = arith.extui %ge3A_235 : i1 to i32
        %cond3A_237 = arith.constant 0 : i32
        %cond3A_238 = arith.cmpi ne, %convert_element_type3A_236, %cond3A_237 : i32
        scf.if %cond3A_238 {
          %dma_wait3A_245 = arith.constant 0 : i32
          %dma_wait3A_246 = tpu.memref_slice %arg4[%mul3A_2, %dma_wait3A_245] : memref<32768x1024xf32, #tpu.memory_space<hbm>> -> memref<16x1024xf32, #tpu.memory_space<hbm>>
          %dma_wait3A_247 = arith.constant 0 : i32
          %dma_wait3A_248 = tpu.memref_slice %arg4[%mul3A_2, %dma_wait3A_247] : memref<32768x1024xf32, #tpu.memory_space<hbm>> -> memref<16x1024xf32, #tpu.memory_space<hbm>>
          tpu.wait_dma2 semaphore(%arg18 : memref<!tpu.dma_semaphore, #tpu.memory_space<semaphore_mem>>) src(%arg6 : memref<16x1024xf32, #tpu.memory_space<vmem>>) dst(%dma_wait3A_248 : memref<16x1024xf32, #tpu.memory_space<hbm>>)
        } else {
        }
        %mul3A_239 = arith.constant 16 : i32
        %mul3A_240 = arith.muli %add3A_172, %mul3A_239 : i32
        %dma_start3A_241 = tpu.memref_slice %arg5[%mul3A_240] : memref<1024xi32, #tpu.memory_space<vmem>> -> memref<16xi32, #tpu.memory_space<vmem>>
        %dma_start3A_242 = arith.constant 0 : i32
        %dma_start3A_243 = arith.constant 0 : i32
        %dma_start3A_244 = tpu.memref_slice %arg2[%dma_start3A_242, %dma_start3A_243] : memref<8192x1024xf32, #tpu.memory_space<hbm>> -> memref<8192x1024xf32, #tpu.memory_space<hbm>>
        tpu.enqueue_indirect_dma source(%dma_start3A_244 : memref<8192x1024xf32, #tpu.memory_space<hbm>>) target(%arg6 : memref<16x1024xf32, #tpu.memory_space<vmem>>) offsets(%dma_start3A_241 : memref<16xi32, #tpu.memory_space<vmem>>) semaphore(%arg12 : memref<!tpu.dma_semaphore, #tpu.memory_space<semaphore_mem>>)
      } else {
      }
      %dma_wait3A_178 = arith.constant 0 : i32
      %dma_wait3A_179 = arith.constant 0 : i32
      %dma_wait3A_180 = tpu.memref_slice %arg2[%dma_wait3A_178, %dma_wait3A_179] : memref<8192x1024xf32, #tpu.memory_space<hbm>> -> memref<16x1024xf32, #tpu.memory_space<hbm>>
      %dma_wait3A_181 = arith.constant 0 : i32
      %dma_wait3A_182 = arith.constant 0 : i32
      %dma_wait3A_183 = tpu.memref_slice %arg2[%dma_wait3A_181, %dma_wait3A_182] : memref<8192x1024xf32, #tpu.memory_space<hbm>> -> memref<16x1024xf32, #tpu.memory_space<hbm>>
      tpu.wait_dma2 semaphore(%arg15 : memref<!tpu.dma_semaphore, #tpu.memory_space<semaphore_mem>>) src(%dma_wait3A_183 : memref<16x1024xf32, #tpu.memory_space<hbm>>) dst(%arg9 : memref<16x1024xf32, #tpu.memory_space<vmem>>)
      %mul3A_184 = arith.constant 16 : i32
      %mul3A_185 = arith.muli %add3A_170, %mul3A_184 : i32
      %add3A_186 = arith.addi %mul3A_2, %mul3A_185 : i32
      %dma_start3A_187 = arith.constant 0 : i32
      %dma_start3A_188 = tpu.memref_slice %arg4[%add3A_186, %dma_start3A_187] : memref<32768x1024xf32, #tpu.memory_space<hbm>> -> memref<16x1024xf32, #tpu.memory_space<hbm>>
      %dma_start3A_189 = arith.constant 0 : i32
      %dma_start3A_190 = tpu.memref_slice %arg4[%add3A_186, %dma_start3A_189] : memref<32768x1024xf32, #tpu.memory_space<hbm>> -> memref<16x1024xf32, #tpu.memory_space<hbm>>
      tpu.enqueue_dma source(%arg9 : memref<16x1024xf32, #tpu.memory_space<vmem>>) target(%dma_start3A_190 : memref<16x1024xf32, #tpu.memory_space<hbm>>) target_semaphore(%arg21 : memref<!tpu.dma_semaphore, #tpu.memory_space<semaphore_mem>>)
      %add3A_191 = arith.constant 4 : i32
      %add3A_192 = arith.addi %add3A_105, %add3A_191 : i32
      %add3A_193 = arith.constant 3 : i32
      %add3A_194 = arith.addi %add3A_192, %add3A_193 : i32
      %lt3A_195 = arith.constant 64 : i32
      %lt3A_196 = arith.cmpi slt, %add3A_194, %lt3A_195 : i32
      %convert_element_type3A_197 = arith.extui %lt3A_196 : i1 to i32
      %cond3A_198 = arith.constant 0 : i32
      %cond3A_199 = arith.cmpi ne, %convert_element_type3A_197, %cond3A_198 : i32
      scf.if %cond3A_199 {
        %ge3A = arith.constant 6 : i32
        %ge3A_235 = arith.cmpi sge, %add3A_194, %ge3A : i32
        %convert_element_type3A_236 = arith.extui %ge3A_235 : i1 to i32
        %cond3A_237 = arith.constant 0 : i32
        %cond3A_238 = arith.cmpi ne, %convert_element_type3A_236, %cond3A_237 : i32
        scf.if %cond3A_238 {
          %dma_wait3A_245 = arith.constant 0 : i32
          %dma_wait3A_246 = tpu.memref_slice %arg4[%mul3A_2, %dma_wait3A_245] : memref<32768x1024xf32, #tpu.memory_space<hbm>> -> memref<16x1024xf32, #tpu.memory_space<hbm>>
          %dma_wait3A_247 = arith.constant 0 : i32
          %dma_wait3A_248 = tpu.memref_slice %arg4[%mul3A_2, %dma_wait3A_247] : memref<32768x1024xf32, #tpu.memory_space<hbm>> -> memref<16x1024xf32, #tpu.memory_space<hbm>>
          tpu.wait_dma2 semaphore(%arg19 : memref<!tpu.dma_semaphore, #tpu.memory_space<semaphore_mem>>) src(%arg7 : memref<16x1024xf32, #tpu.memory_space<vmem>>) dst(%dma_wait3A_248 : memref<16x1024xf32, #tpu.memory_space<hbm>>)
        } else {
        }
        %mul3A_239 = arith.constant 16 : i32
        %mul3A_240 = arith.muli %add3A_194, %mul3A_239 : i32
        %dma_start3A_241 = tpu.memref_slice %arg5[%mul3A_240] : memref<1024xi32, #tpu.memory_space<vmem>> -> memref<16xi32, #tpu.memory_space<vmem>>
        %dma_start3A_242 = arith.constant 0 : i32
        %dma_start3A_243 = arith.constant 0 : i32
        %dma_start3A_244 = tpu.memref_slice %arg2[%dma_start3A_242, %dma_start3A_243] : memref<8192x1024xf32, #tpu.memory_space<hbm>> -> memref<8192x1024xf32, #tpu.memory_space<hbm>>
        tpu.enqueue_indirect_dma source(%dma_start3A_244 : memref<8192x1024xf32, #tpu.memory_space<hbm>>) target(%arg7 : memref<16x1024xf32, #tpu.memory_space<vmem>>) offsets(%dma_start3A_241 : memref<16xi32, #tpu.memory_space<vmem>>) semaphore(%arg13 : memref<!tpu.dma_semaphore, #tpu.memory_space<semaphore_mem>>)
      } else {
      }
      %dma_wait3A_200 = arith.constant 0 : i32
      %dma_wait3A_201 = arith.constant 0 : i32
      %dma_wait3A_202 = tpu.memref_slice %arg2[%dma_wait3A_200, %dma_wait3A_201] : memref<8192x1024xf32, #tpu.memory_space<hbm>> -> memref<16x1024xf32, #tpu.memory_space<hbm>>
      %dma_wait3A_203 = arith.constant 0 : i32
      %dma_wait3A_204 = arith.constant 0 : i32
      %dma_wait3A_205 = tpu.memref_slice %arg2[%dma_wait3A_203, %dma_wait3A_204] : memref<8192x1024xf32, #tpu.memory_space<hbm>> -> memref<16x1024xf32, #tpu.memory_space<hbm>>
      tpu.wait_dma2 semaphore(%arg16 : memref<!tpu.dma_semaphore, #tpu.memory_space<semaphore_mem>>) src(%dma_wait3A_205 : memref<16x1024xf32, #tpu.memory_space<hbm>>) dst(%arg10 : memref<16x1024xf32, #tpu.memory_space<vmem>>)
      %mul3A_206 = arith.constant 16 : i32
      %mul3A_207 = arith.muli %add3A_192, %mul3A_206 : i32
      %add3A_208 = arith.addi %mul3A_2, %mul3A_207 : i32
      %dma_start3A_209 = arith.constant 0 : i32
      %dma_start3A_210 = tpu.memref_slice %arg4[%add3A_208, %dma_start3A_209] : memref<32768x1024xf32, #tpu.memory_space<hbm>> -> memref<16x1024xf32, #tpu.memory_space<hbm>>
      %dma_start3A_211 = arith.constant 0 : i32
      %dma_start3A_212 = tpu.memref_slice %arg4[%add3A_208, %dma_start3A_211] : memref<32768x1024xf32, #tpu.memory_space<hbm>> -> memref<16x1024xf32, #tpu.memory_space<hbm>>
      tpu.enqueue_dma source(%arg10 : memref<16x1024xf32, #tpu.memory_space<vmem>>) target(%dma_start3A_212 : memref<16x1024xf32, #tpu.memory_space<hbm>>) target_semaphore(%arg22 : memref<!tpu.dma_semaphore, #tpu.memory_space<semaphore_mem>>)
      %add3A_213 = arith.constant 5 : i32
      %add3A_214 = arith.addi %add3A_105, %add3A_213 : i32
      %add3A_215 = arith.constant 3 : i32
      %add3A_216 = arith.addi %add3A_214, %add3A_215 : i32
      %lt3A_217 = arith.constant 64 : i32
      %lt3A_218 = arith.cmpi slt, %add3A_216, %lt3A_217 : i32
      %convert_element_type3A_219 = arith.extui %lt3A_218 : i1 to i32
      %cond3A_220 = arith.constant 0 : i32
      %cond3A_221 = arith.cmpi ne, %convert_element_type3A_219, %cond3A_220 : i32
      scf.if %cond3A_221 {
        %ge3A = arith.constant 6 : i32
        %ge3A_235 = arith.cmpi sge, %add3A_216, %ge3A : i32
        %convert_element_type3A_236 = arith.extui %ge3A_235 : i1 to i32
        %cond3A_237 = arith.constant 0 : i32
        %cond3A_238 = arith.cmpi ne, %convert_element_type3A_236, %cond3A_237 : i32
        scf.if %cond3A_238 {
          %dma_wait3A_245 = arith.constant 0 : i32
          %dma_wait3A_246 = tpu.memref_slice %arg4[%mul3A_2, %dma_wait3A_245] : memref<32768x1024xf32, #tpu.memory_space<hbm>> -> memref<16x1024xf32, #tpu.memory_space<hbm>>
          %dma_wait3A_247 = arith.constant 0 : i32
          %dma_wait3A_248 = tpu.memref_slice %arg4[%mul3A_2, %dma_wait3A_247] : memref<32768x1024xf32, #tpu.memory_space<hbm>> -> memref<16x1024xf32, #tpu.memory_space<hbm>>
          tpu.wait_dma2 semaphore(%arg20 : memref<!tpu.dma_semaphore, #tpu.memory_space<semaphore_mem>>) src(%arg8 : memref<16x1024xf32, #tpu.memory_space<vmem>>) dst(%dma_wait3A_248 : memref<16x1024xf32, #tpu.memory_space<hbm>>)
        } else {
        }
        %mul3A_239 = arith.constant 16 : i32
        %mul3A_240 = arith.muli %add3A_216, %mul3A_239 : i32
        %dma_start3A_241 = tpu.memref_slice %arg5[%mul3A_240] : memref<1024xi32, #tpu.memory_space<vmem>> -> memref<16xi32, #tpu.memory_space<vmem>>
        %dma_start3A_242 = arith.constant 0 : i32
        %dma_start3A_243 = arith.constant 0 : i32
        %dma_start3A_244 = tpu.memref_slice %arg2[%dma_start3A_242, %dma_start3A_243] : memref<8192x1024xf32, #tpu.memory_space<hbm>> -> memref<8192x1024xf32, #tpu.memory_space<hbm>>
        tpu.enqueue_indirect_dma source(%dma_start3A_244 : memref<8192x1024xf32, #tpu.memory_space<hbm>>) target(%arg8 : memref<16x1024xf32, #tpu.memory_space<vmem>>) offsets(%dma_start3A_241 : memref<16xi32, #tpu.memory_space<vmem>>) semaphore(%arg14 : memref<!tpu.dma_semaphore, #tpu.memory_space<semaphore_mem>>)
      } else {
      }
      %dma_wait3A_222 = arith.constant 0 : i32
      %dma_wait3A_223 = arith.constant 0 : i32
      %dma_wait3A_224 = tpu.memref_slice %arg2[%dma_wait3A_222, %dma_wait3A_223] : memref<8192x1024xf32, #tpu.memory_space<hbm>> -> memref<16x1024xf32, #tpu.memory_space<hbm>>
      %dma_wait3A_225 = arith.constant 0 : i32
      %dma_wait3A_226 = arith.constant 0 : i32
      %dma_wait3A_227 = tpu.memref_slice %arg2[%dma_wait3A_225, %dma_wait3A_226] : memref<8192x1024xf32, #tpu.memory_space<hbm>> -> memref<16x1024xf32, #tpu.memory_space<hbm>>
      tpu.wait_dma2 semaphore(%arg17 : memref<!tpu.dma_semaphore, #tpu.memory_space<semaphore_mem>>) src(%dma_wait3A_227 : memref<16x1024xf32, #tpu.memory_space<hbm>>) dst(%arg11 : memref<16x1024xf32, #tpu.memory_space<vmem>>)
      %mul3A_228 = arith.constant 16 : i32
      %mul3A_229 = arith.muli %add3A_214, %mul3A_228 : i32
      %add3A_230 = arith.addi %mul3A_2, %mul3A_229 : i32
      %dma_start3A_231 = arith.constant 0 : i32
      %dma_start3A_232 = tpu.memref_slice %arg4[%add3A_230, %dma_start3A_231] : memref<32768x1024xf32, #tpu.memory_space<hbm>> -> memref<16x1024xf32, #tpu.memory_space<hbm>>
      %dma_start3A_233 = arith.constant 0 : i32
      %dma_start3A_234 = tpu.memref_slice %arg4[%add3A_230, %dma_start3A_233] : memref<32768x1024xf32, #tpu.memory_space<hbm>> -> memref<16x1024xf32, #tpu.memory_space<hbm>>
      tpu.enqueue_dma source(%arg11 : memref<16x1024xf32, #tpu.memory_space<vmem>>) target(%dma_start3A_234 : memref<16x1024xf32, #tpu.memory_space<hbm>>) target_semaphore(%arg23 : memref<!tpu.dma_semaphore, #tpu.memory_space<semaphore_mem>>)
    }
    %scan3A_20 = arith.constant 10 : i32
    %dma_wait3A = arith.constant 0 : i32
    %dma_wait3A_21 = tpu.memref_slice %arg4[%mul3A_2, %dma_wait3A] : memref<32768x1024xf32, #tpu.memory_space<hbm>> -> memref<16x1024xf32, #tpu.memory_space<hbm>>
    %dma_wait3A_22 = arith.constant 0 : i32
    %dma_wait3A_23 = tpu.memref_slice %arg4[%mul3A_2, %dma_wait3A_22] : memref<32768x1024xf32, #tpu.memory_space<hbm>> -> memref<16x1024xf32, #tpu.memory_space<hbm>>
    tpu.wait_dma2 semaphore(%arg21 : memref<!tpu.dma_semaphore, #tpu.memory_space<semaphore_mem>>) src(%arg9 : memref<16x1024xf32, #tpu.memory_space<vmem>>) dst(%dma_wait3A_23 : memref<16x1024xf32, #tpu.memory_space<hbm>>)
    %dma_start3A_24 = arith.constant 1008 : i32
    %dma_start3A_25 = tpu.memref_slice %arg5[%dma_start3A_24] : memref<1024xi32, #tpu.memory_space<vmem>> -> memref<16xi32, #tpu.memory_space<vmem>>
    %dma_start3A_26 = arith.constant 0 : i32
    %dma_start3A_27 = arith.constant 0 : i32
    %dma_start3A_28 = tpu.memref_slice %arg2[%dma_start3A_26, %dma_start3A_27] : memref<8192x1024xf32, #tpu.memory_space<hbm>> -> memref<8192x1024xf32, #tpu.memory_space<hbm>>
    tpu.enqueue_indirect_dma source(%dma_start3A_28 : memref<8192x1024xf32, #tpu.memory_space<hbm>>) target(%arg9 : memref<16x1024xf32, #tpu.memory_space<vmem>>) offsets(%dma_start3A_25 : memref<16xi32, #tpu.memory_space<vmem>>) semaphore(%arg15 : memref<!tpu.dma_semaphore, #tpu.memory_space<semaphore_mem>>)
    %dma_wait3A_29 = arith.constant 0 : i32
    %dma_wait3A_30 = arith.constant 0 : i32
    %dma_wait3A_31 = tpu.memref_slice %arg2[%dma_wait3A_29, %dma_wait3A_30] : memref<8192x1024xf32, #tpu.memory_space<hbm>> -> memref<16x1024xf32, #tpu.memory_space<hbm>>
    %dma_wait3A_32 = arith.constant 0 : i32
    %dma_wait3A_33 = arith.constant 0 : i32
    %dma_wait3A_34 = tpu.memref_slice %arg2[%dma_wait3A_32, %dma_wait3A_33] : memref<8192x1024xf32, #tpu.memory_space<hbm>> -> memref<16x1024xf32, #tpu.memory_space<hbm>>
    tpu.wait_dma2 semaphore(%arg12 : memref<!tpu.dma_semaphore, #tpu.memory_space<semaphore_mem>>) src(%dma_wait3A_34 : memref<16x1024xf32, #tpu.memory_space<hbm>>) dst(%arg6 : memref<16x1024xf32, #tpu.memory_space<vmem>>)
    %add3A_35 = arith.constant 960 : i32
    %add3A_36 = arith.addi %mul3A_2, %add3A_35 : i32
    %dma_start3A_37 = arith.constant 0 : i32
    %dma_start3A_38 = tpu.memref_slice %arg4[%add3A_36, %dma_start3A_37] : memref<32768x1024xf32, #tpu.memory_space<hbm>> -> memref<16x1024xf32, #tpu.memory_space<hbm>>
    %dma_start3A_39 = arith.constant 0 : i32
    %dma_start3A_40 = tpu.memref_slice %arg4[%add3A_36, %dma_start3A_39] : memref<32768x1024xf32, #tpu.memory_space<hbm>> -> memref<16x1024xf32, #tpu.memory_space<hbm>>
    tpu.enqueue_dma source(%arg6 : memref<16x1024xf32, #tpu.memory_space<vmem>>) target(%dma_start3A_40 : memref<16x1024xf32, #tpu.memory_space<hbm>>) target_semaphore(%arg18 : memref<!tpu.dma_semaphore, #tpu.memory_space<semaphore_mem>>)
    %dma_wait3A_41 = arith.constant 0 : i32
    %dma_wait3A_42 = arith.constant 0 : i32
    %dma_wait3A_43 = tpu.memref_slice %arg2[%dma_wait3A_41, %dma_wait3A_42] : memref<8192x1024xf32, #tpu.memory_space<hbm>> -> memref<16x1024xf32, #tpu.memory_space<hbm>>
    %dma_wait3A_44 = arith.constant 0 : i32
    %dma_wait3A_45 = arith.constant 0 : i32
    %dma_wait3A_46 = tpu.memref_slice %arg2[%dma_wait3A_44, %dma_wait3A_45] : memref<8192x1024xf32, #tpu.memory_space<hbm>> -> memref<16x1024xf32, #tpu.memory_space<hbm>>
    tpu.wait_dma2 semaphore(%arg13 : memref<!tpu.dma_semaphore, #tpu.memory_space<semaphore_mem>>) src(%dma_wait3A_46 : memref<16x1024xf32, #tpu.memory_space<hbm>>) dst(%arg7 : memref<16x1024xf32, #tpu.memory_space<vmem>>)
    %add3A_47 = arith.constant 976 : i32
    %add3A_48 = arith.addi %mul3A_2, %add3A_47 : i32
    %dma_start3A_49 = arith.constant 0 : i32
    %dma_start3A_50 = tpu.memref_slice %arg4[%add3A_48, %dma_start3A_49] : memref<32768x1024xf32, #tpu.memory_space<hbm>> -> memref<16x1024xf32, #tpu.memory_space<hbm>>
    %dma_start3A_51 = arith.constant 0 : i32
    %dma_start3A_52 = tpu.memref_slice %arg4[%add3A_48, %dma_start3A_51] : memref<32768x1024xf32, #tpu.memory_space<hbm>> -> memref<16x1024xf32, #tpu.memory_space<hbm>>
    tpu.enqueue_dma source(%arg7 : memref<16x1024xf32, #tpu.memory_space<vmem>>) target(%dma_start3A_52 : memref<16x1024xf32, #tpu.memory_space<hbm>>) target_semaphore(%arg19 : memref<!tpu.dma_semaphore, #tpu.memory_space<semaphore_mem>>)
    %dma_wait3A_53 = arith.constant 0 : i32
    %dma_wait3A_54 = arith.constant 0 : i32
    %dma_wait3A_55 = tpu.memref_slice %arg2[%dma_wait3A_53, %dma_wait3A_54] : memref<8192x1024xf32, #tpu.memory_space<hbm>> -> memref<16x1024xf32, #tpu.memory_space<hbm>>
    %dma_wait3A_56 = arith.constant 0 : i32
    %dma_wait3A_57 = arith.constant 0 : i32
    %dma_wait3A_58 = tpu.memref_slice %arg2[%dma_wait3A_56, %dma_wait3A_57] : memref<8192x1024xf32, #tpu.memory_space<hbm>> -> memref<16x1024xf32, #tpu.memory_space<hbm>>
    tpu.wait_dma2 semaphore(%arg14 : memref<!tpu.dma_semaphore, #tpu.memory_space<semaphore_mem>>) src(%dma_wait3A_58 : memref<16x1024xf32, #tpu.memory_space<hbm>>) dst(%arg8 : memref<16x1024xf32, #tpu.memory_space<vmem>>)
    %add3A_59 = arith.constant 992 : i32
    %add3A_60 = arith.addi %mul3A_2, %add3A_59 : i32
    %dma_start3A_61 = arith.constant 0 : i32
    %dma_start3A_62 = tpu.memref_slice %arg4[%add3A_60, %dma_start3A_61] : memref<32768x1024xf32, #tpu.memory_space<hbm>> -> memref<16x1024xf32, #tpu.memory_space<hbm>>
    %dma_start3A_63 = arith.constant 0 : i32
    %dma_start3A_64 = tpu.memref_slice %arg4[%add3A_60, %dma_start3A_63] : memref<32768x1024xf32, #tpu.memory_space<hbm>> -> memref<16x1024xf32, #tpu.memory_space<hbm>>
    tpu.enqueue_dma source(%arg8 : memref<16x1024xf32, #tpu.memory_space<vmem>>) target(%dma_start3A_64 : memref<16x1024xf32, #tpu.memory_space<hbm>>) target_semaphore(%arg20 : memref<!tpu.dma_semaphore, #tpu.memory_space<semaphore_mem>>)
    %dma_wait3A_65 = arith.constant 0 : i32
    %dma_wait3A_66 = arith.constant 0 : i32
    %dma_wait3A_67 = tpu.memref_slice %arg2[%dma_wait3A_65, %dma_wait3A_66] : memref<8192x1024xf32, #tpu.memory_space<hbm>> -> memref<16x1024xf32, #tpu.memory_space<hbm>>
    %dma_wait3A_68 = arith.constant 0 : i32
    %dma_wait3A_69 = arith.constant 0 : i32
    %dma_wait3A_70 = tpu.memref_slice %arg2[%dma_wait3A_68, %dma_wait3A_69] : memref<8192x1024xf32, #tpu.memory_space<hbm>> -> memref<16x1024xf32, #tpu.memory_space<hbm>>
    tpu.wait_dma2 semaphore(%arg15 : memref<!tpu.dma_semaphore, #tpu.memory_space<semaphore_mem>>) src(%dma_wait3A_70 : memref<16x1024xf32, #tpu.memory_space<hbm>>) dst(%arg9 : memref<16x1024xf32, #tpu.memory_space<vmem>>)
    %add3A_71 = arith.constant 1008 : i32
    %add3A_72 = arith.addi %mul3A_2, %add3A_71 : i32
    %dma_start3A_73 = arith.constant 0 : i32
    %dma_start3A_74 = tpu.memref_slice %arg4[%add3A_72, %dma_start3A_73] : memref<32768x1024xf32, #tpu.memory_space<hbm>> -> memref<16x1024xf32, #tpu.memory_space<hbm>>
    %dma_start3A_75 = arith.constant 0 : i32
    %dma_start3A_76 = tpu.memref_slice %arg4[%add3A_72, %dma_start3A_75] : memref<32768x1024xf32, #tpu.memory_space<hbm>> -> memref<16x1024xf32, #tpu.memory_space<hbm>>
    tpu.enqueue_dma source(%arg9 : memref<16x1024xf32, #tpu.memory_space<vmem>>) target(%dma_start3A_76 : memref<16x1024xf32, #tpu.memory_space<hbm>>) target_semaphore(%arg21 : memref<!tpu.dma_semaphore, #tpu.memory_space<semaphore_mem>>)
    %dma_wait3A_77 = arith.constant 0 : i32
    %dma_wait3A_78 = tpu.memref_slice %arg4[%mul3A_2, %dma_wait3A_77] : memref<32768x1024xf32, #tpu.memory_space<hbm>> -> memref<16x1024xf32, #tpu.memory_space<hbm>>
    %dma_wait3A_79 = arith.constant 0 : i32
    %dma_wait3A_80 = tpu.memref_slice %arg4[%mul3A_2, %dma_wait3A_79] : memref<32768x1024xf32, #tpu.memory_space<hbm>> -> memref<16x1024xf32, #tpu.memory_space<hbm>>
    tpu.wait_dma2 semaphore(%arg18 : memref<!tpu.dma_semaphore, #tpu.memory_space<semaphore_mem>>) src(%arg6 : memref<16x1024xf32, #tpu.memory_space<vmem>>) dst(%dma_wait3A_80 : memref<16x1024xf32, #tpu.memory_space<hbm>>)
    %dma_wait3A_81 = arith.constant 0 : i32
    %dma_wait3A_82 = tpu.memref_slice %arg4[%mul3A_2, %dma_wait3A_81] : memref<32768x1024xf32, #tpu.memory_space<hbm>> -> memref<16x1024xf32, #tpu.memory_space<hbm>>
    %dma_wait3A_83 = arith.constant 0 : i32
    %dma_wait3A_84 = tpu.memref_slice %arg4[%mul3A_2, %dma_wait3A_83] : memref<32768x1024xf32, #tpu.memory_space<hbm>> -> memref<16x1024xf32, #tpu.memory_space<hbm>>
    tpu.wait_dma2 semaphore(%arg19 : memref<!tpu.dma_semaphore, #tpu.memory_space<semaphore_mem>>) src(%arg7 : memref<16x1024xf32, #tpu.memory_space<vmem>>) dst(%dma_wait3A_84 : memref<16x1024xf32, #tpu.memory_space<hbm>>)
    %dma_wait3A_85 = arith.constant 0 : i32
    %dma_wait3A_86 = tpu.memref_slice %arg4[%mul3A_2, %dma_wait3A_85] : memref<32768x1024xf32, #tpu.memory_space<hbm>> -> memref<16x1024xf32, #tpu.memory_space<hbm>>
    %dma_wait3A_87 = arith.constant 0 : i32
    %dma_wait3A_88 = tpu.memref_slice %arg4[%mul3A_2, %dma_wait3A_87] : memref<32768x1024xf32, #tpu.memory_space<hbm>> -> memref<16x1024xf32, #tpu.memory_space<hbm>>
    tpu.wait_dma2 semaphore(%arg20 : memref<!tpu.dma_semaphore, #tpu.memory_space<semaphore_mem>>) src(%arg8 : memref<16x1024xf32, #tpu.memory_space<vmem>>) dst(%dma_wait3A_88 : memref<16x1024xf32, #tpu.memory_space<hbm>>)
    %dma_wait3A_89 = arith.constant 0 : i32
    %dma_wait3A_90 = tpu.memref_slice %arg4[%mul3A_2, %dma_wait3A_89] : memref<32768x1024xf32, #tpu.memory_space<hbm>> -> memref<16x1024xf32, #tpu.memory_space<hbm>>
    %dma_wait3A_91 = arith.constant 0 : i32
    %dma_wait3A_92 = tpu.memref_slice %arg4[%mul3A_2, %dma_wait3A_91] : memref<32768x1024xf32, #tpu.memory_space<hbm>> -> memref<16x1024xf32, #tpu.memory_space<hbm>>
    tpu.wait_dma2 semaphore(%arg21 : memref<!tpu.dma_semaphore, #tpu.memory_space<semaphore_mem>>) src(%arg9 : memref<16x1024xf32, #tpu.memory_space<vmem>>) dst(%dma_wait3A_92 : memref<16x1024xf32, #tpu.memory_space<hbm>>)
    %dma_wait3A_93 = arith.constant 0 : i32
    %dma_wait3A_94 = tpu.memref_slice %arg4[%mul3A_2, %dma_wait3A_93] : memref<32768x1024xf32, #tpu.memory_space<hbm>> -> memref<16x1024xf32, #tpu.memory_space<hbm>>
    %dma_wait3A_95 = arith.constant 0 : i32
    %dma_wait3A_96 = tpu.memref_slice %arg4[%mul3A_2, %dma_wait3A_95] : memref<32768x1024xf32, #tpu.memory_space<hbm>> -> memref<16x1024xf32, #tpu.memory_space<hbm>>
    tpu.wait_dma2 semaphore(%arg22 : memref<!tpu.dma_semaphore, #tpu.memory_space<semaphore_mem>>) src(%arg10 : memref<16x1024xf32, #tpu.memory_space<vmem>>) dst(%dma_wait3A_96 : memref<16x1024xf32, #tpu.memory_space<hbm>>)
    %dma_wait3A_97 = arith.constant 0 : i32
    %dma_wait3A_98 = tpu.memref_slice %arg4[%mul3A_2, %dma_wait3A_97] : memref<32768x1024xf32, #tpu.memory_space<hbm>> -> memref<16x1024xf32, #tpu.memory_space<hbm>>
    %dma_wait3A_99 = arith.constant 0 : i32
    %dma_wait3A_100 = tpu.memref_slice %arg4[%mul3A_2, %dma_wait3A_99] : memref<32768x1024xf32, #tpu.memory_space<hbm>> -> memref<16x1024xf32, #tpu.memory_space<hbm>>
    tpu.wait_dma2 semaphore(%arg23 : memref<!tpu.dma_semaphore, #tpu.memory_space<semaphore_mem>>) src(%arg11 : memref<16x1024xf32, #tpu.memory_space<vmem>>) dst(%dma_wait3A_100 : memref<16x1024xf32, #tpu.memory_space<hbm>>)
    return
  }
}

</mosaic_0001>

<sc_bundles>
// kernel: kernel.3.cloned.1.call-start
scs
__scs_entry_jumppad:
0x0: {  	(pc) =	sbr.rel $0x88, $3  }
0x1: {  	(tag) =	ssettag $0x0;
	lr =	simm.s32 $0x1  }
0x2: {  	[smem:$0x3F9F] =	sst lr;
	_ =	strace $0xD0000000  }
0x3: {  	_ = 	snop  }
0x4: {  	_ = 	snop  }
0x5: {  	_ = 	snop  }
0x6: {  	_ = 	snop  }
0x7: {  	_ = 	snop  }
__scs_overlays_trampoline_lowered:
0x8: {  	[smem:$0x3FAE] =	sst s0  }
0x9: {  	[smem:$0x3FAF] =	sst s1  }
0xa: {  	[smem:$0x3FB0] =	sst s2  }
0xb: {  	[smem:$0x3FB1] =	sst s3  }
0xc: {  	[smem:$0x3FB2] =	sst s4  }
0xd: {  	[smem:$0x3FB3] =	sst s5  }
0xe: {  	[smem:$0x3FB4] =	sst s6  }
0xf: {  	[smem:$0x3FB5] =	sst s7  }
0x10: {  	[smem:$0x3FB6] =	sst s8  }
0x11: {  	[smem:$0x3FB7] =	sst s9;
	s0 =	simm.s32 @!p0 $0x0  }
0x12: {  	s1 =	sld [smem:$0x3F9D];
	s0 =	simm.s32 @p0 $0x1  }
0x13: {  	[smem:$0x3FB8] =	sst s0;
	s0 =	simm.s32 @!p1 $0x0  }
0x14: {  	s2 =	sld [smem:$0x3F9C];
	s0 =	simm.s32 @p1 $0x1  }
0x15: {  	[smem:$0x3FB9] =	sst s0;
	s0 =	simm.s32 @!p2 $0x0  }
0x16: {  	s3 =	sld [smem:$0x3FDB];
	s0 =	simm.s32 @p2 $0x1  }
0x17: {  	s4 =	simm.s32 $0x1BF5;
	[smem:$0x3FBB] =	sst s0  }
0x18: {  	s0 =	sld [smem:$0x3F9E];
	_ =	swait.ge [sflag:s4], $0x0  }
0x19: {  	s7 =	sld [smem:$0x3F9F]  }
0x1a: {  	s8 =	sadd.s32 $0xFFFFE003, lr  }
0x1b: {  	s9 =	sadd.s32 $0xFFFFFEF7, lr;
	s5 =	simm.s32 $0xFFFFFFFF;
	p2 =	slt.u32 s8, $0xFFFFF086  }
0x1c: {  	p1 =	slt.u32 s9, $0xF7A;
	s5 =	simm.s32 @!p2 $0x0  }
0x1d: {  	s5 =	simm.s32 @p1 $0x1;
	p0 =	seq.s32 s7, s2  }
0x1e: {  	s7 =	smul.u32 @!p0 $0xF7A, s2;
	p2 =	seq.s32 @!p0 s5, $0x0  }
0x1f: {  	s9 =	smul.u32 $0xF7A, s1;
	s8 =	simm.s32 @!p0 $0x1BF5;
	p2 =	por !p2, p0  }
0x20: {  	[sflag:s8] =	ssyncset.s32 @!p0 $0xFFFFF086;
	s6 =	sadd.s32 @!p0 s3, s7;
	s7 =	simm.s32 @!p0 $0x108  }
0x21: {  	s3 =	sadd.s32 s3, s9;
	s6 =	sadd.s32 @!p0 $0x88, s6;
	s7 =	simm.s32 @p2 $0x1082  }
0x22: {  	[simem:s7], [sflag:s8] =	dma.local @!p0 [hbm:s6], $0xF7A  }
0x23: {  	s9 =	sor.u32 $0xD0000000, s2;
	s6 =	simm.s32 $0x108;
	_ =	swait.ge @!p0 [sflag:s8], $0x0  }
0x24: {  	s3 =	sadd.s32 $0x88, s3;
	s6 =	simm.s32 @!p1 $0x1082;
	[sflag:s4] =	ssyncset.s32 $0xFFFFF086  }
0x25: {  	[simem:s6], [sflag:s4] =	dma.local [hbm:s3], $0xF7A  }
0x26: {  	[smem:$0x3F9F] =	sst s1;
	(tag) =	ssettag s2;
	_ =	strace s9  }
0x27: {  	s1 =	sld [smem:$0x3FAF]  }
0x28: {  	s2 =	sld [smem:$0x3FB0]  }
0x29: {  	s4 =	sld [smem:$0x3FB2]  }
0x2a: {  	p0 =	seq.s32 s5, $0x0;
	s5 =	sld [smem:$0x3FB3]  }
0x2b: {  	s6 =	sld [smem:$0x3FB4]  }
0x2c: {  	s7 =	sld [smem:$0x3FB5]  }
0x2d: {  	s3 =	simm.s32 $0x108;
	s8 =	sld [smem:$0x3FB6]  }
0x2e: {  	s3 =	simm.s32 @!p0 $0x1082;
	s9 =	sld [smem:$0x3FB7]  }
0x2f: {  	lr =	sadd.s32 s0, s3;
	s0 =	sld [smem:$0x3FAE]  }
0x30: {  	s3 =	sld [smem:$0x3FB1]  }
0x31: {  	[smem:$0x3FBA] =	sst s10  }
0x32: {  	s10 =	sld [smem:$0x3FB8];
	_ =	sdelay $0x3  }
0x33: {  	p0 =	seq.s32 s10, $0x1;
	s10 =	sld [smem:$0x3FBA];
	_ =	sdelay $0x3  }
0x34: {  	[smem:$0x3FBA] =	sst s10  }
0x35: {  	s10 =	sld [smem:$0x3FB9];
	_ =	sdelay $0x3  }
0x36: {  	p1 =	seq.s32 s10, $0x1;
	s10 =	sld [smem:$0x3FBA];
	_ =	sdelay $0x3  }
0x37: {  	[smem:$0x3FBA] =	sst s10  }
0x38: {  	s10 =	sld [smem:$0x3FBB]  }
0x39: {  	_ = 	snop;
	(pc) =	sbr.ind lr, $3  }
0x3a: {  	_ = 	snop  }
0x3b: {  	_ = 	snop  }
0x3c: {  	p2 =	seq.s32 s10, $0x1;
	s10 =	sld [smem:$0x3FBA]  }
0x3d: {  	_ =	shalt  }
0x3e: {  	_ =	shalt  }
0x3f: {  	_ =	shalt  }
0x40: {  	_ =	shalt  }
0x41: {  	_ =	shalt  }
0x42: {  	_ =	shalt  }
0x43: {  	_ =	shalt  }
0x44: {  	_ =	shalt  }
0x45: {  	_ =	shalt  }
0x46: {  	_ =	shalt  }
0x47: {  	_ =	shalt  }
0x48: {  	_ =	shalt  }
0x49: {  	_ =	shalt  }
0x4a: {  	_ =	shalt  }
0x4b: {  	_ =	shalt  }
0x4c: {  	_ =	shalt  }
0x4d: {  	_ =	shalt  }
0x4e: {  	_ =	shalt  }
0x4f: {  	_ =	shalt  }
0x50: {  	_ =	shalt  }
0x51: {  	_ =	shalt  }
0x52: {  	_ =	shalt  }
0x53: {  	_ =	shalt  }
0x54: {  	_ =	shalt  }
0x55: {  	_ =	shalt  }
0x56: {  	_ =	shalt  }
0x57: {  	_ =	shalt  }
0x58: {  	_ =	shalt  }
0x59: {  	_ =	shalt  }
0x5a: {  	_ =	shalt  }
0x5b: {  	_ =	shalt  }
0x5c: {  	_ =	shalt  }
0x5d: {  	_ =	shalt  }
0x5e: {  	_ =	shalt  }
0x5f: {  	_ =	shalt  }
0x60: {  	_ =	shalt  }
0x61: {  	_ =	shalt  }
0x62: {  	_ =	shalt  }
0x63: {  	_ =	shalt  }
0x64: {  	_ =	shalt  }
0x65: {  	_ =	shalt  }
0x66: {  	_ =	shalt  }
0x67: {  	_ =	shalt  }
0x68: {  	_ =	shalt  }
0x69: {  	_ =	shalt  }
0x6a: {  	_ =	shalt  }
0x6b: {  	_ =	shalt  }
0x6c: {  	_ =	shalt  }
0x6d: {  	_ =	shalt  }
0x6e: {  	_ =	shalt  }
0x6f: {  	_ =	shalt  }
0x70: {  	_ =	shalt  }
0x71: {  	_ =	shalt  }
0x72: {  	_ =	shalt  }
0x73: {  	_ =	shalt  }
0x74: {  	_ =	shalt  }
0x75: {  	_ =	shalt  }
0x76: {  	_ =	shalt  }
0x77: {  	_ =	shalt  }
0x78: {  	_ =	shalt  }
0x79: {  	_ =	shalt  }
0x7a: {  	_ =	shalt  }
0x7b: {  	_ =	shalt  }
0x7c: {  	_ =	shalt  }
0x7d: {  	_ =	shalt  }
0x7e: {  	_ =	shalt  }
0x7f: {  	_ =	shalt  }
0x80: {  	_ =	shalt  }
0x81: {  	_ =	shalt  }
0x82: {  	_ =	shalt  }
0x83: {  	_ =	shalt  }
0x84: {  	_ =	shalt  }
0x85: {  	_ =	shalt  }
0x86: {  	_ =	shalt  }
0x87: {  	_ =	shalt  }
.Lfunc_end0:
.L_simem_size_0:
called_computation_lowered:
.L_overlay_start_0:
0x88: {  	s2 =	sld [smem:$0x3FD9]  }
0x89: {  	s3 =	sld [smem:$0x3FFE];
	_ =	sdelay $0x1  }
0x8a: {  	s1 =	srdreg.scid  }
0x8b: {  	s0 =	sand.u32 $0x1, s1  }
0x8c: {  	s18 =	sshll.u32 s0, $0xA;
	s2 =	sadd.s32 s3, s2  }
0x8d: {  	s2 =	sadd.s32 s2, s18  }
0x8e: {  	[smem:$0x3FC6] =	sst s2  }
0x8f: {  	_ = 	snop  }
0x90: {  	s2 =	sld [smem:$0x3FC9]  }
0x91: {  	s19 =	sld [smem:$0x3FC8]  }
0x92: {  	s4 =	sld [smem:$0x3FD0];
	(tm) =	ssettm $0x1  }
0x93: {  	s5 =	sld [smem:$0x3FFB];
	_ =	sdelay $0x3  }
0x94: {  	_ =	strace s5  }
0x95: {  	s5 =	sld [smem:$0x3FFC];
	_ =	sdelay $0x3  }
0x96: {  	_ =	strace s5  }
0x97: {  	s5 =	sld [smem:$0x3FFD];
	_ =	sdelay $0x3  }
0x98: {  	_ =	strace s5  }
0x99: {  	_ =	strace $0x8FFFFFFF  }
0x9a: {  	s20 =	sld [smem:$0x3FDB];
	_ =	sdelay $0x1  }
0x9b: {  	s6 =	simm.s32 $_scs_section_size  }
0x9c: {  	s7 =	simm.s32 $_size__tile_overlayer_lowered;
	s8 =	simm.s32 $_tile_overlayer_lowered  }
0x9d: {  	s23 =	simm.s32 $0x1BFF;
	s22 =	sshll.u32 s8, $0x1;
	s5 =	sadd.s32 s6, s20  }
0x9e: {  	s9 =	simm.s32 $0x0;
	s21 =	sshll.u32 s7, $0x1;
	s7 =	sadd.s32 s22, s5  }
0x9f: {  	[timem:s9], [sflag:s23] =	dma.local [hbm:s7], s21  }
0xa0: {  	_ =	swait.ge [sflag:s23], s21  }
0xa1: {  	s6 =	ssub.s32 $0x0, s21;
	[sflag:s23] =	ssyncset.done $0x0  }
0xa2: {  	[sflag:s23] =	ssyncadd.s32 s6;
	_ =	sdelay $0x1  }
0xa3: {  	s24 =	simm.s32 $0x1B8B  }
0xa4: {  	_ =	swait.ge [sflag:s24], $0x1  }
0xa5: {  	[sflag:s24] =	ssyncset.done $0x0  }
0xa6: {  	s25 =	simm.s32 $0x1B8E;
	[sflag:s24] =	ssyncadd.s32 $0xFFFFFFFF  }
0xa7: {  	s26 =	simm.s32 $execute0_lowered;
	[smem:$0x3FD2] =	sst s25  }
0xa8: {  	s6 =	sshll.u32 s26, $0x1;
	_ =	strace $0x80000046;
	[dreg:$0x1] =	wrdreg $0xFFFFFFFF  }
0xa9: {  	s28 =	simm.s32 $_size_execute0_lowered;
	s5 =	sadd.s32 s5, s6;
	[dreg:$0x0] =	wrdreg $0x0  }
0xaa: {  	s6 =	sshll.u32 s28, $0x1;
	[dreg:$0x2] =	wrdreg s5  }
0xab: {  	[dreg:$0x3] =	wrdreg s6  }
0xac: {  	[dreg:$0x4] =	wrdreg $0xC0  }
0xad: {  	_ =	task [dreg:s9], $0x5FFFF  }
0xae: {  	[dreg:$0x1] =	wrdreg $0xFFFFFFFF  }
0xaf: {  	[dreg:$0x0] =	wrdreg $0x60  }
0xb0: {  	[dreg:$0x2] =	wrdreg s19  }
0xb1: {  	[dreg:$0x3] =	wrdreg s2  }
0xb2: {  	[dreg:$0x4] =	wrdreg s4  }
0xb3: {  	[dreg:$0x5] =	wrdreg $0x9  }
0xb4: {  	_ =	task.clear_ibuf [dreg:s9], $0x6FFFF;
	_ =	strace $0x90000046  }
0xb5: {  	s29 =	simm.s32 $0x9;
	_ =	strace $0x80000048  }
0xb6: {  	_ =	swait.ge [sflag:s29], $0x1  }
0xb7: {  	[sflag:s29] =	ssyncadd.s32 $0xFFFFFFFF  }
0xb8: {  	_ =	strace $0x90000048  }
0xb9: {  	_ =	sfence  }
0xba: {  	s30 =	sld [smem:$0x0];
	_ =	sdelay $0x2  }
0xbb: {  	s31 =	sshll.u32 s1, $0xD;
	s1 =	sshrl.u32 s1, $0x2  }
0xbc: {  	s3 =	sand.u32 $0x4000, s31;
	s1 =	sadd.s32 s1, s30  }
0xbd: {  	s0 =	sor.u32 s3, s0;
	s1 =	sshll.u32 s1, $0x11  }
0xbe: {  	s0 =	sor.u32 s1, s0  }
0xbf: {  	s0 =	sadd.s32 $0x8F2B, s0  }
0xc0: {  	[sflag:s0] =	ssyncadd.remote.s32 $0x1  }
0xc1: {  	_ =	sfence.sel $0xFFFF  }
0xc2: {  	[dreg:$0x0] =	wrdreg $0xFFFFFFFF;
	(pc) =	sbr.abs _section_cstart, $3  }
0xc3: {  	[dreg:$0x1] =	wrdreg $0xFFFFFFFF  }
0xc4: {  	_ =	task.clear_ibuf [dreg:s9], $0x2FFFF;
	_ =	strace $0x9FFFFFFF  }
0xc5: {  	(tm) =	ssettm $0x7FFFFFFF  }
tec
execute0_lowered:
.L_overlay_start_1:
0x0: {  	(tag) =	ssettag $0x1  }
0x1: {  	s1 =	rddreg [dreg:$0x0]  }
0x2: {  	s0 =	rddreg [dreg:$0x1]  }
0x3: {  	s2 =	rddreg [dreg:$0x2]  }
0x4: {  	s3 =	srdreg.scid;
	s10 =	stileid.u32;
	s11 =	simm.s32 $0x10C00  }
0x5: {  	s13 =	simm.s32 $0x11400;
	s14 =	simm.s32 $0x11C00;
	s16 =	simm.s32 $0x12400  }
0x6: {  	s17 =	simm.s32 $0x12C00;
	s4 =	sand.u32 $0x1, s3;
	s3 =	simm.s32 $0x0  }
0x7: {  	s18 =	simm.s32 $0x13400;
	s19 =	simm.s32 $0x13C00;
	[smem:$0x7FF] =	sst s3  }
0x8: {  	s20 =	simm.s32 $0x14C00;
	_ =	strace $0x80000047;
	[dreg:$0x5] =	wrdreg s11  }
0x9: {  	s21 =	simm.s32 $0x15400;
	s22 =	simm.s32 $0x15C00;
	[dreg:$0x6] =	wrdreg s13  }
0xa: {  	s31 =	simm.s32 $0x8400;
	s28 =	simm.s32 $0x7;
	[dreg:$0x7] =	wrdreg s14  }
0xb: {  	s29 =	simm.s32 $0x4;
	s30 =	simm.s32 $0x8;
	[dreg:$0x8] =	wrdreg s16  }
0xc: {  	s5 =	sshll.u32 s10, $0xB;
	s25 =	sshll.u32 s10, $0x12;
	[dreg:$0x9] =	wrdreg s17  }
0xd: {  	s6 =	sshll.u32 s4, $0xA;
	s7 =	ssub.s32 $0x2, s4;
	[dreg:$0xa] =	wrdreg s18  }
0xe: {  	s4 =	sshll.u32 s4, $0x11;
	s8 =	sor.u32 s6, s5;
	[dreg:$0xb] =	wrdreg s19  }
0xf: {  	s23 =	sshrl.u32 s7, $0x1;
	s5 =	sadd.s32 $0x100, s1;
	[dreg:$0xc] =	wrdreg s20  }
0x10: {  	s14 =	simm.s32 $0x400;
	s13 =	simm.s32 $0xC00;
	[dreg:$0xd] =	wrdreg s21  }
0x11: {  	s11 =	simm.s32 $0x2400;
	[dreg:$0xe] =	wrdreg s22;
	s16 =	simm.s32 $0x3400  }
0x12: {  	s17 =	simm.s32 $0x3C00;
	s22 =	simm.s32 $0x4400;
	s18 =	simm.s32 $0x4C00  }
0x13: {  	s19 =	simm.s32 $0x5400;
	s20 =	simm.s32 $0x5C00;
	s21 =	simm.s32 $0x1  }
0x14: {  	s6 =	sshrl.u32 s8, $0x3;
	s9 =	ssub.s32 s7, s23;
	s23 =	simm.s32 $0x16400  }
0x15: {  	s24 =	sshll.u32 s8, $0x7;
	s8 =	simm.s32 $0x0;
	[dreg:$0xf] =	wrdreg s23  }
0x16: {  	s7 =	sadd.s32 $0x300, s1;
	s0 =	sadd.s32 s0, s6;
	[dreg:$0x19] =	wrdreg s8  }
0x17: {  	s6 =	sadd.s32 $0x200, s1;
	s15 =	smax.u32 s9, $0x1;
	[dreg:$0x13] =	wrdreg s0  }
0x18: {  	s0 =	sadd.s32 s24, s2;
	[dreg:$0x18] =	wrdreg s15;
	s24 =	simm.s32 $0x16C00  }
0x19: {  	s2 =	sadd.s32 s25, s2;
	s25 =	simm.s32 $0x17400;
	[dreg:$0x10] =	wrdreg s24  }
0x1a: {  	s9 =	simm.s32 $0x1400;
	s26 =	sadd.s32 $0x1E000, s0;
	[dreg:$0x11] =	wrdreg s25  }
0x1b: {  	s23 =	simm.s32 $0x10400;
	s10 =	sadd.s32 $0x1E800, s0;
	[dreg:$0x14] =	wrdreg s26  }
0x1c: {  	s15 =	simm.s32 $0x2C00;
	s2 =	sadd.s32 s4, s2;
	[dreg:$0x15] =	wrdreg s10  }
0x1d: {  	s12 =	sadd.s32 $0x1F000, s0;
	s0 =	sadd.s32 $0x1F800, s0;
	[dreg:$0x4] =	wrdreg s2  }
0x1e: {  	s24 =	simm.s32 $0x2;
	s25 =	simm.s32 $0x14400;
	[dreg:$0x16] =	wrdreg s12  }
0x1f: {  	v2 =	vlaneseq.u32;
	s4 =	simm.s32 $0x6;
	[dreg:$0x17] =	wrdreg s0;
	s10 =	simm.s32 $0x1C00  }
0x20: {  	vm0 =	vmmov $0xffff;
	v1 =	vshrl.u32 v2, $0x3;
	s26 =	simm.s32 $0x17C00;
	s12 =	simm.s32 $0xC400;
	s0 =	simm.s32 $0x5  }
0x21: {  	v0 =	vand.u32 $0x7, v2;
	v2 =	vor.u32 $0x8, v2;
	v1 =	vmul.u32 $0x8, v1;
	s2 =	simm.s32 $0x9;
	[dreg:$0x12] =	wrdreg s26;
	s26 =	simm.s32 $0x3  }
.LBB2_1:
0x22: {  	s8 =	rddreg [dreg:$0x13]  }
0x23: {  	[tilespmem:s3], [sflag:$0xD] =	stream.linear.gather [hbm4b:s8+s3], $0x400, $0x38;
	[tilespmem:$0x18400] =	vst v63  }
0x24: {  	s8 =	simm.s32 $0xD  }
0x25: {  	_ =	swait.ge [sflag:s8], $0x400  }
0x26: {  	[sflag:s8] =	ssyncset.done $0x0  }
0x27: {  	[sflag:s8] =	ssyncadd.s32 $0xFFFFFC00  }
0x28: {  	v3 =	vld [tilespmem:$0x0];
	_ =	sdelay $0x4  }
0x29: {  	v4 =	vshll.u32 v3, $0x3  }
0x2a: {  	v3 =	vand.u32 $0x7, v3;
	v4 =	vand.u32 $0xFFFFFFC0, v4  }
0x2b: {  	v3 =	vor.u32 v3, v4  }
0x2c: {  	v4 =	vperm.xlane v3, v0;
	_ =	sdelay $0x1  }
0x2d: {  	v4 =	vadd.s32 v1, v4;
	_ =	sdelay $0x4  }
0x2e: {  	[tilespmem:s14], [sflag:$0x1] =	stream.indirect_vreg.gather [hbm4b:s1+s3], $0x80, v4, vm0, $0xb8;
	[tilespmem:$0x18400] =	vst v63  }
0x2f: {  	v3 =	vperm.xlane v3, v2  }
0x30: {  	[tilespmem:s13], [sflag:$0x1] =	stream.indirect_vreg.gather [hbm4b:s5+s3], $0x80, v4, vm0, $0xb8;
	[tilespmem:$0x18400] =	vst v63  }
0x31: {  	v3 =	vadd.s32 v1, v3  }
0x32: {  	[tilespmem:s9], [sflag:$0x1] =	stream.indirect_vreg.gather [hbm4b:s6+s3], $0x80, v4, vm0, $0xb8;
	[tilespmem:$0x18400] =	vst v63  }
0x33: {  	_ = 	snop  }
0x34: {  	[tilespmem:s10], [sflag:$0x1] =	stream.indirect_vreg.gather [hbm4b:s7+s3], $0x80, v4, vm0, $0xb8;
	[tilespmem:$0x18400] =	vst v63  }
0x35: {  	_ = 	snop  }
0x36: {  	[tilespmem:s11], [sflag:$0x1] =	stream.indirect_vreg.gather [hbm4b:s1+s3], $0x80, v3, vm0, $0xb8;
	[tilespmem:$0x18400] =	vst v63  }
0x37: {  	_ = 	snop  }
0x38: {  	[tilespmem:s15], [sflag:$0x1] =	stream.indirect_vreg.gather [hbm4b:s5+s3], $0x80, v3, vm0, $0xb8;
	[tilespmem:$0x18400] =	vst v63  }
0x39: {  	_ = 	snop  }
0x3a: {  	[tilespmem:s16], [sflag:$0x1] =	stream.indirect_vreg.gather [hbm4b:s6+s3], $0x80, v3, vm0, $0xb8;
	[tilespmem:$0x18400] =	vst v63  }
0x3b: {  	_ = 	snop  }
0x3c: {  	[tilespmem:s17], [sflag:$0x1] =	stream.indirect_vreg.gather [hbm4b:s7+s3], $0x80, v3, vm0, $0xb8;
	[tilespmem:$0x18400] =	vst v63  }
0x3d: {  	v3 =	vld [tilespmem:$0x10];
	_ =	sdelay $0x4  }
0x3e: {  	v62 =	vshll.u32 v3, $0x3  }
0x3f: {  	v3 =	vand.u32 $0x7, v3;
	v4 =	vand.u32 $0xFFFFFFC0, v62  }
0x40: {  	v3 =	vor.u32 v3, v4  }
0x41: {  	v4 =	vperm.xlane v3, v0;
	_ =	sdelay $0x1  }
0x42: {  	v4 =	vadd.s32 v1, v4;
	_ =	sdelay $0x4  }
0x43: {  	[tilespmem:s22], [sflag:$0x2] =	stream.indirect_vreg.gather [hbm4b:s1+s3], $0x80, v4, vm0, $0xb8;
	[tilespmem:$0x18400] =	vst v63  }
0x44: {  	v3 =	vperm.xlane v3, v2  }
0x45: {  	[tilespmem:s18], [sflag:$0x2] =	stream.indirect_vreg.gather [hbm4b:s5+s3], $0x80, v4, vm0, $0xb8;
	[tilespmem:$0x18400] =	vst v63  }
0x46: {  	v3 =	vadd.s32 v1, v3  }
0x47: {  	[tilespmem:s19], [sflag:$0x2] =	stream.indirect_vreg.gather [hbm4b:s6+s3], $0x80, v4, vm0, $0xb8;
	[tilespmem:$0x18400] =	vst v63  }
0x48: {  	_ = 	snop  }
0x49: {  	[tilespmem:s20], [sflag:$0x2] =	stream.indirect_vreg.gather [hbm4b:s7+s3], $0x80, v4, vm0, $0xb8;
	[tilespmem:$0x18400] =	vst v63  }
0x4a: {  	s11 =	simm.s32 $0x6400  }
0x4b: {  	[tilespmem:s11], [sflag:$0x2] =	stream.indirect_vreg.gather [hbm4b:s1+s3], $0x80, v3, vm0, $0xb8;
	[tilespmem:$0x18400] =	vst v63  }
0x4c: {  	s13 =	simm.s32 $0x6C00  }
0x4d: {  	[tilespmem:s13], [sflag:$0x2] =	stream.indirect_vreg.gather [hbm4b:s5+s3], $0x80, v3, vm0, $0xb8;
	[tilespmem:$0x18400] =	vst v63  }
0x4e: {  	s15 =	simm.s32 $0x7400  }
0x4f: {  	[tilespmem:s15], [sflag:$0x2] =	stream.indirect_vreg.gather [hbm4b:s6+s3], $0x80, v3, vm0, $0xb8;
	[tilespmem:$0x18400] =	vst v63  }
0x50: {  	s16 =	simm.s32 $0x7C00  }
0x51: {  	[tilespmem:s16], [sflag:$0x2] =	stream.indirect_vreg.gather [hbm4b:s7+s3], $0x80, v3, vm0, $0xb8;
	[tilespmem:$0x18400] =	vst v63  }
0x52: {  	v3 =	vld [tilespmem:$0x20];
	_ =	sdelay $0x4  }
0x53: {  	v63 =	vshll.u32 v3, $0x3  }
0x54: {  	v3 =	vand.u32 $0x7, v3;
	v4 =	vand.u32 $0xFFFFFFC0, v63  }
0x55: {  	v3 =	vor.u32 v3, v4  }
0x56: {  	v4 =	vperm.xlane v3, v0;
	_ =	sdelay $0x1  }
0x57: {  	v4 =	vadd.s32 v1, v4;
	_ =	sdelay $0x4  }
0x58: {  	[tilespmem:s31], [sflag:$0x3] =	stream.indirect_vreg.gather [hbm4b:s1+s3], $0x80, v4, vm0, $0xb8;
	[tilespmem:$0x18400] =	vst v63  }
0x59: {  	s17 =	simm.s32 $0x8C00;
	v3 =	vperm.xlane v3, v2  }
0x5a: {  	[tilespmem:s17], [sflag:$0x3] =	stream.indirect_vreg.gather [hbm4b:s5+s3], $0x80, v4, vm0, $0xb8;
	[tilespmem:$0x18400] =	vst v63  }
0x5b: {  	s18 =	simm.s32 $0x9400;
	v3 =	vadd.s32 v1, v3  }
0x5c: {  	[tilespmem:s18], [sflag:$0x3] =	stream.indirect_vreg.gather [hbm4b:s6+s3], $0x80, v4, vm0, $0xb8;
	[tilespmem:$0x18400] =	vst v63  }
0x5d: {  	s19 =	simm.s32 $0x9C00  }
0x5e: {  	[tilespmem:s19], [sflag:$0x3] =	stream.indirect_vreg.gather [hbm4b:s7+s3], $0x80, v4, vm0, $0xb8;
	[tilespmem:$0x18400] =	vst v63  }
0x5f: {  	s20 =	simm.s32 $0xA400  }
0x60: {  	[tilespmem:s20], [sflag:$0x3] =	stream.indirect_vreg.gather [hbm4b:s1+s3], $0x80, v3, vm0, $0xb8;
	[tilespmem:$0x18400] =	vst v63  }
0x61: {  	s8 =	simm.s32 $0x40;
	s16 =	simm.s32 $0xAC00  }
0x62: {  	[tilespmem:s16], [sflag:$0x3] =	stream.indirect_vreg.gather [hbm4b:s5+s3], $0x80, v3, vm0, $0xb8;
	[tilespmem:$0x18400] =	vst v63  }
0x63: {  	s9 =	simm.s32 $0x0;
	s15 =	simm.s32 $0x5400;
	s19 =	simm.s32 $0xB400  }
0x64: {  	[tilespmem:s19], [sflag:$0x3] =	stream.indirect_vreg.gather [hbm4b:s6+s3], $0x80, v3, vm0, $0xb8;
	[tilespmem:$0x18400] =	vst v63  }
0x65: {  	s17 =	simm.s32 $0xBC00;
	s18 =	simm.s32 $0x5C00;
	s20 =	simm.s32 $0x3C00  }
0x66: {  	[tilespmem:s17], [sflag:$0x3] =	stream.indirect_vreg.gather [hbm4b:s7+s3], $0x80, v3, vm0, $0xb8;
	[tilespmem:$0x18400] =	vst v63  }
.LBB2_2:
0x67: {  	p0 =	seq.s32 s9, $0x0  }
0x68: {  	s10 =	simm.s32 @!p0 $0xA  }
0x69: {  	_ =	swait.ge @!p0 [sflag:s10], $0x4000  }
0x6a: {  	[sflag:s10] =	ssyncset.done @!p0 $0x0  }
0x6b: {  	[sflag:s10] =	ssyncadd.s32 @!p0 $0xFFFFC000  }
0x6c: {  	v3 =	vld [tilespmem:s8+$0xFFFFFFF0];
	_ =	sdelay $0x4  }
0x6d: {  	v4 =	vshll.u32 v3, $0x3  }
0x6e: {  	v3 =	vand.u32 $0x7, v3;
	v4 =	vand.u32 $0xFFFFFFC0, v4  }
0x6f: {  	v3 =	vor.u32 v3, v4  }
0x70: {  	v4 =	vperm.xlane v3, v0;
	_ =	sdelay $0x1  }
0x71: {  	v4 =	vadd.s32 v1, v4;
	_ =	sdelay $0x4  }
0x72: {  	[tilespmem:s12], [sflag:$0x4] =	stream.indirect_vreg.gather [hbm4b:s1+s3], $0x80, v4, vm0, $0xb8;
	[tilespmem:$0x18400] =	vst v63  }
0x73: {  	s13 =	simm.s32 $0xCC00;
	v3 =	vperm.xlane v3, v2  }
0x74: {  	[tilespmem:s13], [sflag:$0x4] =	stream.indirect_vreg.gather [hbm4b:s5+s3], $0x80, v4, vm0, $0xb8;
	[tilespmem:$0x18400] =	vst v63  }
0x75: {  	s11 =	simm.s32 $0xD400;
	v3 =	vadd.s32 v1, v3  }
0x76: {  	[tilespmem:s11], [sflag:$0x4] =	stream.indirect_vreg.gather [hbm4b:s6+s3], $0x80, v4, vm0, $0xb8;
	[tilespmem:$0x18400] =	vst v63  }
0x77: {  	s13 =	simm.s32 $0xDC00  }
0x78: {  	[tilespmem:s13], [sflag:$0x4] =	stream.indirect_vreg.gather [hbm4b:s7+s3], $0x80, v4, vm0, $0xb8;
	[tilespmem:$0x18400] =	vst v63  }
0x79: {  	s11 =	simm.s32 $0xE400  }
0x7a: {  	[tilespmem:s11], [sflag:$0x4] =	stream.indirect_vreg.gather [hbm4b:s1+s3], $0x80, v3, vm0, $0xb8;
	[tilespmem:$0x18400] =	vst v63  }
0x7b: {  	s13 =	simm.s32 $0xEC00  }
0x7c: {  	[tilespmem:s13], [sflag:$0x4] =	stream.indirect_vreg.gather [hbm4b:s5+s3], $0x80, v3, vm0, $0xb8;
	[tilespmem:$0x18400] =	vst v63  }
0x7d: {  	s11 =	simm.s32 $0xF400  }
0x7e: {  	[tilespmem:s11], [sflag:$0x4] =	stream.indirect_vreg.gather [hbm4b:s6+s3], $0x80, v3, vm0, $0xb8;
	[tilespmem:$0x18400] =	vst v63  }
0x7f: {  	s13 =	simm.s32 $0xFC00  }
0x80: {  	[tilespmem:s13], [sflag:$0x4] =	stream.indirect_vreg.gather [hbm4b:s7+s3], $0x80, v3, vm0, $0xb8;
	[tilespmem:$0x18400] =	vst v63  }
0x81: {  	_ =	swait.ge [sflag:s21], $0x4000  }
0x82: {  	s11 =	rddreg [dreg:$0x4];
	[sflag:s21] =	ssyncset.done $0x0  }
0x83: {  	[sflag:s21] =	ssyncadd.s32 $0xFFFFC000;
	s10 =	sadd.s32 s9, s11;
	s11 =	simm.s32 @!p0 $0xB  }
0x84: {  	[hbm4b:s10+s3] =	stream.linear.scatter [tilespmem:s14], [sflag:$0x7], $0x4000, $0x38;
	[tilespmem:$0x18400] =	vst v63  }
0x85: {  	_ =	swait.ge @!p0 [sflag:s11], $0x4000  }
0x86: {  	[sflag:s11] =	ssyncset.done @!p0 $0x0  }
0x87: {  	[sflag:s11] =	ssyncadd.s32 @!p0 $0xFFFFC000  }
0x88: {  	v3 =	vld [tilespmem:s8+$0x0];
	_ =	sdelay $0x4  }
0x89: {  	v59 =	vshll.u32 v3, $0x3  }
0x8a: {  	v3 =	vand.u32 $0x7, v3;
	v4 =	vand.u32 $0xFFFFFFC0, v59  }
0x8b: {  	v3 =	vor.u32 v3, v4  }
0x8c: {  	v4 =	vperm.xlane v3, v0;
	_ =	sdelay $0x1  }
0x8d: {  	v4 =	vadd.s32 v1, v4;
	_ =	sdelay $0x4  }
0x8e: {  	[tilespmem:s23], [sflag:$0x5] =	stream.indirect_vreg.gather [hbm4b:s1+s3], $0x80, v4, vm0, $0xb8;
	[tilespmem:$0x18400] =	vst v63  }
0x8f: {  	s11 =	rddreg [dreg:$0x5];
	v3 =	vperm.xlane v3, v2  }
0x90: {  	[tilespmem:s11], [sflag:$0x5] =	stream.indirect_vreg.gather [hbm4b:s5+s3], $0x80, v4, vm0, $0xb8;
	[tilespmem:$0x18400] =	vst v63  }
0x91: {  	s13 =	rddreg [dreg:$0x6];
	v3 =	vadd.s32 v1, v3  }
0x92: {  	[tilespmem:s13], [sflag:$0x5] =	stream.indirect_vreg.gather [hbm4b:s6+s3], $0x80, v4, vm0, $0xb8;
	[tilespmem:$0x18400] =	vst v63  }
0x93: {  	s11 =	rddreg [dreg:$0x7]  }
0x94: {  	[tilespmem:s11], [sflag:$0x5] =	stream.indirect_vreg.gather [hbm4b:s7+s3], $0x80, v4, vm0, $0xb8;
	[tilespmem:$0x18400] =	vst v63  }
0x95: {  	s13 =	rddreg [dreg:$0x8]  }
0x96: {  	[tilespmem:s13], [sflag:$0x5] =	stream.indirect_vreg.gather [hbm4b:s1+s3], $0x80, v3, vm0, $0xb8;
	[tilespmem:$0x18400] =	vst v63  }
0x97: {  	s11 =	rddreg [dreg:$0x9]  }
0x98: {  	[tilespmem:s11], [sflag:$0x5] =	stream.indirect_vreg.gather [hbm4b:s5+s3], $0x80, v3, vm0, $0xb8;
	[tilespmem:$0x18400] =	vst v63  }
0x99: {  	s13 =	rddreg [dreg:$0xa]  }
0x9a: {  	[tilespmem:s13], [sflag:$0x5] =	stream.indirect_vreg.gather [hbm4b:s6+s3], $0x80, v3, vm0, $0xb8;
	[tilespmem:$0x18400] =	vst v63  }
0x9b: {  	s11 =	rddreg [dreg:$0xb]  }
0x9c: {  	[tilespmem:s11], [sflag:$0x5] =	stream.indirect_vreg.gather [hbm4b:s7+s3], $0x80, v3, vm0, $0xb8;
	[tilespmem:$0x18400] =	vst v63  }
0x9d: {  	_ =	swait.ge [sflag:s24], $0x4000  }
0x9e: {  	[sflag:s24] =	ssyncset.done $0x0  }
0x9f: {  	s13 =	sadd.s32 $0x800, s10;
	s11 =	simm.s32 @!p0 $0xC;
	[sflag:s24] =	ssyncadd.s32 $0xFFFFC000  }
0xa0: {  	[hbm4b:s13+s3] =	stream.linear.scatter [tilespmem:s22], [sflag:$0x8], $0x4000, $0x38;
	[tilespmem:$0x18400] =	vst v63  }
0xa1: {  	_ =	swait.ge @!p0 [sflag:s11], $0x4000  }
0xa2: {  	[sflag:s11] =	ssyncset.done @!p0 $0x0  }
0xa3: {  	[sflag:s11] =	ssyncadd.s32 @!p0 $0xFFFFC000  }
0xa4: {  	v3 =	vld [tilespmem:s8+$0x10];
	_ =	sdelay $0x4  }
0xa5: {  	v60 =	vshll.u32 v3, $0x3  }
0xa6: {  	v3 =	vand.u32 $0x7, v3;
	v4 =	vand.u32 $0xFFFFFFC0, v60  }
0xa7: {  	v3 =	vor.u32 v3, v4  }
0xa8: {  	v4 =	vperm.xlane v3, v0;
	_ =	sdelay $0x1  }
0xa9: {  	v4 =	vadd.s32 v1, v4;
	_ =	sdelay $0x4  }
0xaa: {  	[tilespmem:s25], [sflag:$0x6] =	stream.indirect_vreg.gather [hbm4b:s1+s3], $0x80, v4, vm0, $0xb8;
	[tilespmem:$0x18400] =	vst v63  }
0xab: {  	s11 =	rddreg [dreg:$0xc];
	v3 =	vperm.xlane v3, v2  }
0xac: {  	[tilespmem:s11], [sflag:$0x6] =	stream.indirect_vreg.gather [hbm4b:s5+s3], $0x80, v4, vm0, $0xb8;
	[tilespmem:$0x18400] =	vst v63  }
0xad: {  	s13 =	rddreg [dreg:$0xd];
	v3 =	vadd.s32 v1, v3  }
0xae: {  	[tilespmem:s13], [sflag:$0x6] =	stream.indirect_vreg.gather [hbm4b:s6+s3], $0x80, v4, vm0, $0xb8;
	[tilespmem:$0x18400] =	vst v63  }
0xaf: {  	s11 =	rddreg [dreg:$0xe]  }
0xb0: {  	[tilespmem:s11], [sflag:$0x6] =	stream.indirect_vreg.gather [hbm4b:s7+s3], $0x80, v4, vm0, $0xb8;
	[tilespmem:$0x18400] =	vst v63  }
0xb1: {  	s13 =	rddreg [dreg:$0xf]  }
0xb2: {  	[tilespmem:s13], [sflag:$0x6] =	stream.indirect_vreg.gather [hbm4b:s1+s3], $0x80, v3, vm0, $0xb8;
	[tilespmem:$0x18400] =	vst v63  }
0xb3: {  	s11 =	rddreg [dreg:$0x10]  }
0xb4: {  	[tilespmem:s11], [sflag:$0x6] =	stream.indirect_vreg.gather [hbm4b:s5+s3], $0x80, v3, vm0, $0xb8;
	[tilespmem:$0x18400] =	vst v63  }
0xb5: {  	s13 =	rddreg [dreg:$0x11]  }
0xb6: {  	[tilespmem:s13], [sflag:$0x6] =	stream.indirect_vreg.gather [hbm4b:s6+s3], $0x80, v3, vm0, $0xb8;
	[tilespmem:$0x18400] =	vst v63  }
0xb7: {  	s11 =	rddreg [dreg:$0x12]  }
0xb8: {  	[tilespmem:s11], [sflag:$0x6] =	stream.indirect_vreg.gather [hbm4b:s7+s3], $0x80, v3, vm0, $0xb8;
	[tilespmem:$0x18400] =	vst v63  }
0xb9: {  	_ =	swait.ge [sflag:s26], $0x4000  }
0xba: {  	[sflag:s26] =	ssyncset.done $0x0  }
0xbb: {  	s11 =	sadd.s32 $0x1000, s10;
	[sflag:s26] =	ssyncadd.s32 $0xFFFFC000  }
0xbc: {  	[hbm4b:s11+s3] =	stream.linear.scatter [tilespmem:s31], [sflag:$0x9], $0x4000, $0x38;
	[tilespmem:$0x18400] =	vst v63  }
0xbd: {  	_ =	swait.ge [sflag:s28], $0x4000  }
0xbe: {  	[sflag:s28] =	ssyncset.done $0x0  }
0xbf: {  	[sflag:s28] =	ssyncadd.s32 $0xFFFFC000  }
0xc0: {  	v3 =	vld [tilespmem:s8+$0x20];
	_ =	sdelay $0x4  }
0xc1: {  	v61 =	vshll.u32 v3, $0x3  }
0xc2: {  	v3 =	vand.u32 $0x7, v3;
	v4 =	vand.u32 $0xFFFFFFC0, v61  }
0xc3: {  	v3 =	vor.u32 v3, v4  }
0xc4: {  	v4 =	vperm.xlane v3, v0;
	_ =	sdelay $0x1  }
0xc5: {  	v4 =	vadd.s32 v1, v4;
	_ =	sdelay $0x4  }
0xc6: {  	[tilespmem:s14], [sflag:$0x1] =	stream.indirect_vreg.gather [hbm4b:s1+s3], $0x80, v4, vm0, $0xb8;
	[tilespmem:$0x18400] =	vst v63  }
0xc7: {  	s13 =	simm.s32 $0xC00;
	v3 =	vperm.xlane v3, v2  }
0xc8: {  	[tilespmem:s13], [sflag:$0x1] =	stream.indirect_vreg.gather [hbm4b:s5+s3], $0x80, v4, vm0, $0xb8;
	[tilespmem:$0x18400] =	vst v63  }
0xc9: {  	s11 =	simm.s32 $0x1400;
	v3 =	vadd.s32 v1, v3  }
0xca: {  	[tilespmem:s11], [sflag:$0x1] =	stream.indirect_vreg.gather [hbm4b:s6+s3], $0x80, v4, vm0, $0xb8;
	[tilespmem:$0x18400] =	vst v63  }
0xcb: {  	s11 =	simm.s32 $0x1C00  }
0xcc: {  	[tilespmem:s11], [sflag:$0x1] =	stream.indirect_vreg.gather [hbm4b:s7+s3], $0x80, v4, vm0, $0xb8;
	[tilespmem:$0x18400] =	vst v63  }
0xcd: {  	s11 =	simm.s32 $0x2400  }
0xce: {  	[tilespmem:s11], [sflag:$0x1] =	stream.indirect_vreg.gather [hbm4b:s1+s3], $0x80, v3, vm0, $0xb8;
	[tilespmem:$0x18400] =	vst v63  }
0xcf: {  	s11 =	simm.s32 $0x2C00  }
0xd0: {  	[tilespmem:s11], [sflag:$0x1] =	stream.indirect_vreg.gather [hbm4b:s5+s3], $0x80, v3, vm0, $0xb8;
	[tilespmem:$0x18400] =	vst v63  }
0xd1: {  	s11 =	simm.s32 $0x3400  }
0xd2: {  	[tilespmem:s11], [sflag:$0x1] =	stream.indirect_vreg.gather [hbm4b:s6+s3], $0x80, v3, vm0, $0xb8;
	[tilespmem:$0x18400] =	vst v63  }
0xd3: {  	_ = 	snop  }
0xd4: {  	[tilespmem:s20], [sflag:$0x1] =	stream.indirect_vreg.gather [hbm4b:s7+s3], $0x80, v3, vm0, $0xb8;
	[tilespmem:$0x18400] =	vst v63  }
0xd5: {  	_ =	swait.ge [sflag:s29], $0x4000  }
0xd6: {  	[sflag:s29] =	ssyncset.done $0x0  }
0xd7: {  	s11 =	sadd.s32 $0x1800, s10;
	[sflag:s29] =	ssyncadd.s32 $0xFFFFC000  }
0xd8: {  	[hbm4b:s11+s3] =	stream.linear.scatter [tilespmem:s12], [sflag:$0xA], $0x4000, $0x38;
	[tilespmem:$0x18400] =	vst v63  }
0xd9: {  	_ =	swait.ge [sflag:s30], $0x4000  }
0xda: {  	[sflag:s30] =	ssyncset.done $0x0  }
0xdb: {  	[sflag:s30] =	ssyncadd.s32 $0xFFFFC000  }
0xdc: {  	v3 =	vld [tilespmem:s8+$0x30];
	_ =	sdelay $0x4  }
0xdd: {  	v62 =	vshll.u32 v3, $0x3  }
0xde: {  	v3 =	vand.u32 $0x7, v3;
	v4 =	vand.u32 $0xFFFFFFC0, v62  }
0xdf: {  	v3 =	vor.u32 v3, v4  }
0xe0: {  	v4 =	vperm.xlane v3, v0;
	_ =	sdelay $0x1  }
0xe1: {  	v4 =	vadd.s32 v1, v4;
	_ =	sdelay $0x4  }
0xe2: {  	[tilespmem:s22], [sflag:$0x2] =	stream.indirect_vreg.gather [hbm4b:s1+s3], $0x80, v4, vm0, $0xb8;
	[tilespmem:$0x18400] =	vst v63  }
0xe3: {  	s11 =	simm.s32 $0x4C00;
	v3 =	vperm.xlane v3, v2  }
0xe4: {  	[tilespmem:s11], [sflag:$0x2] =	stream.indirect_vreg.gather [hbm4b:s5+s3], $0x80, v4, vm0, $0xb8;
	[tilespmem:$0x18400] =	vst v63  }
0xe5: {  	v3 =	vadd.s32 v1, v3  }
0xe6: {  	[tilespmem:s15], [sflag:$0x2] =	stream.indirect_vreg.gather [hbm4b:s6+s3], $0x80, v4, vm0, $0xb8;
	[tilespmem:$0x18400] =	vst v63  }
0xe7: {  	_ = 	snop  }
0xe8: {  	[tilespmem:s18], [sflag:$0x2] =	stream.indirect_vreg.gather [hbm4b:s7+s3], $0x80, v4, vm0, $0xb8;
	[tilespmem:$0x18400] =	vst v63  }
0xe9: {  	s11 =	simm.s32 $0x6400  }
0xea: {  	[tilespmem:s11], [sflag:$0x2] =	stream.indirect_vreg.gather [hbm4b:s1+s3], $0x80, v3, vm0, $0xb8;
	[tilespmem:$0x18400] =	vst v63  }
0xeb: {  	s11 =	simm.s32 $0x6C00  }
0xec: {  	[tilespmem:s11], [sflag:$0x2] =	stream.indirect_vreg.gather [hbm4b:s5+s3], $0x80, v3, vm0, $0xb8;
	[tilespmem:$0x18400] =	vst v63  }
0xed: {  	s11 =	simm.s32 $0x7400  }
0xee: {  	[tilespmem:s11], [sflag:$0x2] =	stream.indirect_vreg.gather [hbm4b:s6+s3], $0x80, v3, vm0, $0xb8;
	[tilespmem:$0x18400] =	vst v63  }
0xef: {  	s11 =	simm.s32 $0x7C00  }
0xf0: {  	[tilespmem:s11], [sflag:$0x2] =	stream.indirect_vreg.gather [hbm4b:s7+s3], $0x80, v3, vm0, $0xb8;
	[tilespmem:$0x18400] =	vst v63  }
0xf1: {  	_ =	swait.ge [sflag:s0], $0x4000  }
0xf2: {  	[sflag:s0] =	ssyncset.done $0x0  }
0xf3: {  	s11 =	sadd.s32 $0x2000, s10;
	[sflag:s0] =	ssyncadd.s32 $0xFFFFC000  }
0xf4: {  	[hbm4b:s11+s3] =	stream.linear.scatter [tilespmem:s23], [sflag:$0xB], $0x4000, $0x38;
	[tilespmem:$0x18400] =	vst v63  }
0xf5: {  	_ =	swait.ge [sflag:s2], $0x4000  }
0xf6: {  	[sflag:s2] =	ssyncset.done $0x0  }
0xf7: {  	[sflag:s2] =	ssyncadd.s32 $0xFFFFC000  }
0xf8: {  	v3 =	vld [tilespmem:s8+$0x40];
	_ =	sdelay $0x4  }
0xf9: {  	v63 =	vshll.u32 v3, $0x3  }
0xfa: {  	v3 =	vand.u32 $0x7, v3;
	v4 =	vand.u32 $0xFFFFFFC0, v63  }
0xfb: {  	v3 =	vor.u32 v3, v4  }
0xfc: {  	v4 =	vperm.xlane v3, v0;
	_ =	sdelay $0x1  }
0xfd: {  	v4 =	vadd.s32 v1, v4;
	_ =	sdelay $0x4  }
0xfe: {  	[tilespmem:s31], [sflag:$0x3] =	stream.indirect_vreg.gather [hbm4b:s1+s3], $0x80, v4, vm0, $0xb8;
	[tilespmem:$0x18400] =	vst v63  }
0xff: {  	s11 =	simm.s32 $0x8C00;
	v3 =	vperm.xlane v3, v2  }
0x100: {  	[tilespmem:s11], [sflag:$0x3] =	stream.indirect_vreg.gather [hbm4b:s5+s3], $0x80, v4, vm0, $0xb8;
	[tilespmem:$0x18400] =	vst v63  }
0x101: {  	v3 =	vadd.s32 v1, v3;
	s11 =	simm.s32 $0x9400  }
0x102: {  	[tilespmem:s11], [sflag:$0x3] =	stream.indirect_vreg.gather [hbm4b:s6+s3], $0x80, v4, vm0, $0xb8;
	[tilespmem:$0x18400] =	vst v63  }
0x103: {  	s11 =	simm.s32 $0x9C00  }
0x104: {  	[tilespmem:s11], [sflag:$0x3] =	stream.indirect_vreg.gather [hbm4b:s7+s3], $0x80, v4, vm0, $0xb8;
	[tilespmem:$0x18400] =	vst v63  }
0x105: {  	s11 =	simm.s32 $0xA400  }
0x106: {  	[tilespmem:s11], [sflag:$0x3] =	stream.indirect_vreg.gather [hbm4b:s1+s3], $0x80, v3, vm0, $0xb8;
	[tilespmem:$0x18400] =	vst v63  }
0x107: {  	_ = 	snop  }
0x108: {  	[tilespmem:s16], [sflag:$0x3] =	stream.indirect_vreg.gather [hbm4b:s5+s3], $0x80, v3, vm0, $0xb8;
	[tilespmem:$0x18400] =	vst v63  }
0x109: {  	s9 =	sadd.s32 $0x3000, s9  }
0x10a: {  	[tilespmem:s19], [sflag:$0x3] =	stream.indirect_vreg.gather [hbm4b:s6+s3], $0x80, v3, vm0, $0xb8;
	[tilespmem:$0x18400] =	vst v63  }
0x10b: {  	p0 =	sne.s32 s9, $0x1E000  }
0x10c: {  	[tilespmem:s17], [sflag:$0x3] =	stream.indirect_vreg.gather [hbm4b:s7+s3], $0x80, v3, vm0, $0xb8;
	[tilespmem:$0x18400] =	vst v63  }
.Ltmp0:
0x10d: {  	_ = 	snop;
	(pc) =	sbr.rel @p0 .LBB2_2-.Ltmp0, $4  }
0x10e: {  	_ =	swait.ge [sflag:s4], $0x4000  }
0x10f: {  	[sflag:s4] =	ssyncset.done $0x0  }
0x110: {  	s10 =	sadd.s32 $0x2800, s10;
	s8 =	sadd.s32 $0x60, s8;
	[sflag:s4] =	ssyncadd.s32 $0xFFFFC000  }
0x111: {  	[hbm4b:s10+s3] =	stream.linear.scatter [tilespmem:s25], [sflag:$0xC], $0x4000, $0x38;
	[tilespmem:$0x18400] =	vst v63  }
0x112: {  	s9 =	simm.s32 $0xA  }
0x113: {  	_ =	swait.ge [sflag:s9], $0x4000  }
0x114: {  	[sflag:s9] =	ssyncset.done $0x0  }
0x115: {  	[sflag:s9] =	ssyncadd.s32 $0xFFFFC000  }
0x116: {  	v3 =	vld [tilespmem:$0x3F0];
	_ =	sdelay $0x4  }
0x117: {  	v4 =	vshll.u32 v3, $0x3  }
0x118: {  	v3 =	vand.u32 $0x7, v3;
	v4 =	vand.u32 $0xFFFFFFC0, v4  }
0x119: {  	v3 =	vor.u32 v3, v4  }
0x11a: {  	v4 =	vperm.xlane v3, v0;
	_ =	sdelay $0x1  }
0x11b: {  	v4 =	vadd.s32 v1, v4;
	_ =	sdelay $0x4  }
0x11c: {  	[tilespmem:s12], [sflag:$0x4] =	stream.indirect_vreg.gather [hbm4b:s1+s3], $0x80, v4, vm0, $0xb8;
	[tilespmem:$0x18400] =	vst v63  }
0x11d: {  	s8 =	simm.s32 $0xCC00;
	v3 =	vperm.xlane v3, v2  }
0x11e: {  	[tilespmem:s8], [sflag:$0x4] =	stream.indirect_vreg.gather [hbm4b:s5+s3], $0x80, v4, vm0, $0xb8;
	[tilespmem:$0x18400] =	vst v63  }
0x11f: {  	s16 =	simm.s32 $0xD400;
	v3 =	vadd.s32 v1, v3  }
0x120: {  	[tilespmem:s16], [sflag:$0x4] =	stream.indirect_vreg.gather [hbm4b:s6+s3], $0x80, v4, vm0, $0xb8;
	[tilespmem:$0x18400] =	vst v63  }
0x121: {  	s17 =	simm.s32 $0xDC00  }
0x122: {  	[tilespmem:s17], [sflag:$0x4] =	stream.indirect_vreg.gather [hbm4b:s7+s3], $0x80, v4, vm0, $0xb8;
	[tilespmem:$0x18400] =	vst v63  }
0x123: {  	s18 =	simm.s32 $0xE400  }
0x124: {  	[tilespmem:s18], [sflag:$0x4] =	stream.indirect_vreg.gather [hbm4b:s1+s3], $0x80, v3, vm0, $0xb8;
	[tilespmem:$0x18400] =	vst v63  }
0x125: {  	s19 =	simm.s32 $0xEC00  }
0x126: {  	[tilespmem:s19], [sflag:$0x4] =	stream.indirect_vreg.gather [hbm4b:s5+s3], $0x80, v3, vm0, $0xb8;
	[tilespmem:$0x18400] =	vst v63  }
0x127: {  	s20 =	simm.s32 $0xF400  }
0x128: {  	[tilespmem:s20], [sflag:$0x4] =	stream.indirect_vreg.gather [hbm4b:s6+s3], $0x80, v3, vm0, $0xb8;
	[tilespmem:$0x18400] =	vst v63  }
0x129: {  	s10 =	simm.s32 $0xFC00  }
0x12a: {  	[tilespmem:s10], [sflag:$0x4] =	stream.indirect_vreg.gather [hbm4b:s7+s3], $0x80, v3, vm0, $0xb8;
	[tilespmem:$0x18400] =	vst v63  }
0x12b: {  	_ =	swait.ge [sflag:s21], $0x4000  }
0x12c: {  	[sflag:s21] =	ssyncset.done $0x0  }
0x12d: {  	s11 =	rddreg [dreg:$0x14];
	[sflag:s21] =	ssyncadd.s32 $0xFFFFC000  }
0x12e: {  	[hbm4b:s11+s3] =	stream.linear.scatter [tilespmem:s14], [sflag:$0x7], $0x4000, $0x38;
	[tilespmem:$0x18400] =	vst v63  }
0x12f: {  	_ =	swait.ge [sflag:s24], $0x4000  }
0x130: {  	[sflag:s24] =	ssyncset.done $0x0  }
0x131: {  	s15 =	rddreg [dreg:$0x15];
	[sflag:s24] =	ssyncadd.s32 $0xFFFFC000  }
0x132: {  	[hbm4b:s15+s3] =	stream.linear.scatter [tilespmem:s22], [sflag:$0x8], $0x4000, $0x38;
	[tilespmem:$0x18400] =	vst v63  }
0x133: {  	_ =	swait.ge [sflag:s26], $0x4000  }
0x134: {  	[sflag:s26] =	ssyncset.done $0x0  }
0x135: {  	s16 =	rddreg [dreg:$0x16];
	[sflag:s26] =	ssyncadd.s32 $0xFFFFC000  }
0x136: {  	[hbm4b:s16+s3] =	stream.linear.scatter [tilespmem:s31], [sflag:$0x9], $0x4000, $0x38;
	[tilespmem:$0x18400] =	vst v63  }
0x137: {  	_ =	swait.ge [sflag:s29], $0x4000  }
0x138: {  	[sflag:s29] =	ssyncset.done $0x0  }
0x139: {  	s17 =	rddreg [dreg:$0x17];
	[sflag:s29] =	ssyncadd.s32 $0xFFFFC000  }
0x13a: {  	[hbm4b:s17+s3] =	stream.linear.scatter [tilespmem:s12], [sflag:$0xA], $0x4000, $0x38;
	[tilespmem:$0x18400] =	vst v63  }
0x13b: {  	_ =	swait.ge [sflag:s28], $0x4000  }
0x13c: {  	[sflag:s28] =	ssyncset.done $0x0  }
0x13d: {  	[sflag:s28] =	ssyncadd.s32 $0xFFFFC000  }
0x13e: {  	_ =	swait.ge [sflag:s30], $0x4000  }
0x13f: {  	[sflag:s30] =	ssyncset.done $0x0  }
0x140: {  	[sflag:s30] =	ssyncadd.s32 $0xFFFFC000  }
0x141: {  	_ =	swait.ge [sflag:s2], $0x4000  }
0x142: {  	[sflag:s2] =	ssyncset.done $0x0  }
0x143: {  	[sflag:s2] =	ssyncadd.s32 $0xFFFFC000  }
0x144: {  	_ =	swait.ge [sflag:s9], $0x4000  }
0x145: {  	[sflag:s9] =	ssyncset.done $0x0  }
0x146: {  	s18 =	simm.s32 $0xB;
	[sflag:s9] =	ssyncadd.s32 $0xFFFFC000  }
0x147: {  	_ =	swait.ge [sflag:s18], $0x4000  }
0x148: {  	[sflag:s18] =	ssyncset.done $0x0  }
0x149: {  	s19 =	simm.s32 $0xC;
	[sflag:s18] =	ssyncadd.s32 $0xFFFFC000  }
0x14a: {  	_ =	swait.ge [sflag:s19], $0x4000  }
0x14b: {  	s10 =	rddreg [dreg:$0x19]  }
0x14c: {  	s20 =	rddreg [dreg:$0x18];
	s10 =	sadd.s32 $0x1, s10  }
0x14d: {  	p0 =	sne.s32 s10, s20  }
.Ltmp1:
0x14e: {  	_ = 	snop;
	(pc) =	sbr.rel @p0 .LBB2_1-.Ltmp1, $4  }
0x14f: {  	s11 =	simm.s32 $0x2400;
	s15 =	simm.s32 $0x2C00;
	s16 =	simm.s32 $0x3400  }
0x150: {  	s17 =	simm.s32 $0x3C00;
	s9 =	simm.s32 $0x1400;
	[sflag:s19] =	ssyncset.done $0x0  }
0x151: {  	s18 =	simm.s32 $0x4C00;
	[sflag:s19] =	ssyncadd.s32 $0xFFFFC000;
	s19 =	simm.s32 $0x5400  }
0x152: {  	[dreg:$0x19] =	wrdreg s10;
	s10 =	simm.s32 $0x1C00;
	s20 =	simm.s32 $0x5C00  }
0x153: {  	_ =	sfence.sel $0x180000  }
0x154: {  	[bflag:$0x0] =	sbarrier.arrive $0xFFFF  }
0x155: {  	_ =	strace $0x90000047  }
0x156: {  	s0 =	stileid.u32;
	[bflag:$0x2] =	sbarrier.arrive $0xFFFF  }
0x157: {  	p0 =	sne.s32 s0, $0x0;
	s0 =	rddreg [dreg:$0x3]  }
0x158: {  	s0 =	sadd.s32 @!p0 $0x100000, s0  }
0x159: {  	[sflag:s0] =	ssyncadd.tile.s32 @!p0 $0x1;
	_ =	shalt  }
.Lfunc_end2:
_tile_overlayer_lowered:
.L_overlay_start_2:
0x15a: {  	(tag) =	ssettag $0x2  }
0x15b: {  	s0 =	rddreg [dreg:$0x0];
	s2 =	stileid.u32  }
0x15c: {  	s1 =	rddreg [dreg:$0x1];
	p0 =	sne.s32 s2, $0x0  }
0x15d: {  	s3 =	rddreg [dreg:$0x2];
	[bflag:$0x3] =	sbarrier.arrive $0xFFFF;
	s2 =	simm.s32 @!p0 $0x1C0D  }
0x15e: {  	[timem:s3], [sflag:s2] =	dma.local @!p0 [hbm:s0], s1  }
0x15f: {  	s0 =	simm.s32 @!p0 $0xD  }
0x160: {  	_ =	swait.ge @!p0 [sflag:s0], s1  }
0x161: {  	s1 =	ssub.s32 @!p0 $0x0, s1;
	[sflag:s0] =	ssyncset.done @!p0 $0x0  }
0x162: {  	[sflag:s0] =	ssyncadd.s32 @!p0 s1  }
0x163: {  	[bflag:$0x3] =	sbarrier.arrive $0xFFFF  }
0x164: {  	_ =	shalt  }

</sc_bundles>
